<compile_context>
chip_gen: v7x
topology: tpu7x:2x2x1
jax: 0.10.2.dev20260603
libtpu: 0.0.44.dev20260713+nightly
codegen_flags: <defaults>
</compile_context>

<pallas_src>
import functools
import math

import jax
import jax.numpy as jnp
from jax import lax
from jax.experimental import pallas as pl
from jax.experimental.pallas import tpu as pltpu
from jax.experimental.pallas import tpu_sc as plsc

ALPHA = 0.1
THETA = 0.5

NC = 2
NS = 16


def _edge_chunking(E):
    NW = NC * NS
    assert E % NW == 0, E
    per_w = E // NW
    K = max(k for k in range(8, 129, 8) if per_w % k == 0)
    return per_w, K, per_w // K


def _row_range(s, N):
    rows = -(-N // NS)
    rows = -(-rows // 8) * 8
    r0 = pl.multiple_of(jnp.minimum(s * rows, N - rows), 8)
    return r0, rows


def _make_hist(N, E):
    per_w, K, n_chunks = _edge_chunking(E)
    mesh = plsc.VectorSubcoreMesh(core_axis_name="c", subcore_axis_name="s")

    @functools.partial(
        pl.kernel,
        mesh=mesh,
        out_type=jax.ShapeDtypeStruct((NC, N, 16), jnp.float32),
        scratch_types=[
            pltpu.VMEM((K,), jnp.int32),
            pltpu.VMEM((K, 16), jnp.float32),
            pltpu.VMEM_SHARED((N, 16), jnp.float32),
        ],
    )
    def hist(col_hbm, zero_hbm, ones_hbm, out_hbm, coli_v, ones_v, acc_sh):
        c = lax.axis_index("c")
        s = lax.axis_index("s")
        wid = s * NC + c
        r0, nr = _row_range(s, N)
        pltpu.sync_copy(ones_hbm, ones_v)
        pltpu.sync_copy(zero_hbm.at[pl.ds(r0, nr)], acc_sh.at[pl.ds(r0, nr)])
        plsc.subcore_barrier()

        def step(i, carry):
            off = pl.multiple_of(wid * per_w + i * K, 8)
            pltpu.sync_copy(col_hbm.at[pl.ds(off, K)], coli_v)
            pltpu.sync_copy(ones_v, acc_sh.at[coli_v], add=True)
            return carry

        lax.fori_loop(0, n_chunks, step, 0)
        plsc.subcore_barrier()
        pltpu.sync_copy(acc_sh.at[pl.ds(r0, nr)],
                        out_hbm.at[c, pl.ds(r0, nr)])

    return hist


def _make_prop(N, D, E):
    per_w, K, n_chunks = _edge_chunking(E)
    mesh = plsc.VectorSubcoreMesh(core_axis_name="c", subcore_axis_name="s")

    @functools.partial(
        pl.kernel,
        mesh=mesh,
        out_type=jax.ShapeDtypeStruct((NC, N, D), jnp.float32),
        scratch_types=[
            pltpu.VMEM((K,), jnp.int32),
            pltpu.VMEM((K,), jnp.int32),
            pltpu.VMEM((K, D), jnp.float32),
            pltpu.VMEM_SHARED((N, D), jnp.float32),
            pltpu.SemaphoreType.DMA,
        ],
    )
    def prop(g_hbm, row_hbm, col_hbm, zero_hbm, out_hbm,
             rowi_v, coli_v, rows_v, acc_sh, sem):
        c = lax.axis_index("c")
        s = lax.axis_index("s")
        wid = s * NC + c
        r0, nr = _row_range(s, N)
        pltpu.sync_copy(zero_hbm.at[pl.ds(r0, nr)], acc_sh.at[pl.ds(r0, nr)])
        plsc.subcore_barrier()

        def step(i, carry):
            off = pl.multiple_of(wid * per_w + i * K, 8)
            pltpu.sync_copy(row_hbm.at[pl.ds(off, K)], rowi_v)
            pltpu.sync_copy(col_hbm.at[pl.ds(off, K)], coli_v)
            pltpu.async_copy(g_hbm.at[rowi_v], rows_v, sem).wait()
            pltpu.sync_copy(rows_v, acc_sh.at[coli_v], add=True)
            return carry

        lax.fori_loop(0, n_chunks, step, 0)
        plsc.subcore_barrier()
        pltpu.sync_copy(acc_sh.at[pl.ds(r0, nr)],
                        out_hbm.at[c, pl.ds(r0, nr)])

    return prop


def _dinv_from_deg(degp_ref):
    deg = (jnp.sum(degp_ref[0], axis=-1, keepdims=True)
           + jnp.sum(degp_ref[1], axis=-1, keepdims=True) + 1.0)
    return lax.rsqrt(deg)


def _tc1_body(x_ref, w1_ref, b1_ref, degp_ref, h0_ref, g0_ref):
    h = jnp.dot(x_ref[...], w1_ref[...], preferred_element_type=jnp.float32)
    h = jnp.maximum(h + b1_ref[...], 0.0)
    h0_ref[...] = h
    g0_ref[...] = _dinv_from_deg(degp_ref) * h


def _layer_body(alpha, beta, degp_ref, s2_ref, h_ref, x0_ref, w_ref,
                h1_ref, g1_ref):
    dinv = _dinv_from_deg(degp_ref)
    s = s2_ref[0] + s2_ref[1]
    m = (1.0 - alpha) * (dinv * s + (dinv * dinv) * h_ref[...]) \
        + alpha * x0_ref[...]
    t = jnp.dot(m, w_ref[...], preferred_element_type=jnp.float32)
    hn = jnp.maximum((1.0 - beta) * m + beta * t, 0.0)
    h1_ref[...] = hn
    g1_ref[...] = dinv * hn


def _fin_body(h_ref, w2_ref, b2_ref, o_ref):
    o_ref[...] = (jnp.dot(h_ref[...], w2_ref[...],
                          preferred_element_type=jnp.float32) + b2_ref[...])


def kernel(x, edge_index, lin1_w, lin1_b, conv_w, lin2_w, lin2_b):
    N, D = x.shape
    L = conv_w.shape[0]
    ei = edge_index.astype(jnp.int32)
    row, col = ei[0], ei[1]
    E = row.shape[0]
    per_w, K, _ = _edge_chunking(E)

    z16 = jnp.zeros((N, 16), jnp.float32)
    zD = jnp.zeros((N, D), jnp.float32)
    ones = jnp.ones((K, 16), jnp.float32)

    degp = _make_hist(N, E)(col, z16, ones)
    prop = _make_prop(N, D, E)

    R = 2000 if N % 2000 == 0 else N
    nb = N // R
    full = pl.BlockSpec((R, D), lambda i: (i, 0))
    wspec = pl.BlockSpec((D, D), lambda i: (0, 0))
    bspec = pl.BlockSpec((1, D), lambda i: (0, 0))
    degspec = pl.BlockSpec((NC, R, 16), lambda i: (0, i, 0))
    s2spec = pl.BlockSpec((NC, R, D), lambda i: (0, i, 0))
    fDD = jax.ShapeDtypeStruct((N, D), jnp.float32)

    h0, g = pl.pallas_call(
        _tc1_body,
        grid=(nb,),
        in_specs=[full, wspec, bspec, degspec],
        out_specs=[full, full],
        out_shape=[fDD, fDD],
    )(x, lin1_w, lin1_b.reshape(1, D), degp)

    h = h0
    for layer in range(L):
        beta = math.log(THETA / (layer + 1) + 1.0)
        s2 = prop(g, row, col, zD)
        h, g = pl.pallas_call(
            functools.partial(_layer_body, ALPHA, beta),
            grid=(nb,),
            in_specs=[degspec, s2spec, full, full, wspec],
            out_specs=[full, full],
            out_shape=[fDD, fDD],
        )(degp, s2, h, h0, conv_w[layer])

    out = pl.pallas_call(
        _fin_body,
        grid=(nb,),
        in_specs=[full, wspec, bspec],
        out_specs=full,
        out_shape=fDD,
    )(h, lin2_w, lin2_b.reshape(1, D))
    return out

# --- scband reference (transcript-rebuilt; emitter-appended) ---
"""Pipeline reference for scband-gcn2-30562987278375 (READ-ONLY COPY).

The authoritative reference and input builder live on the scoring server;
editing this copy changes nothing except your own understanding.
"""

import jax, jax.numpy as jnp
import numpy as np
import math

N = 10000
E = 320000
D_IN = 128
D_H = 128
D_OUT = 128
L = 4
ALPHA = 0.1
THETA = 0.5


def setup_inputs(seed: int = 0) -> dict:
    key = jax.random.key(seed)
    ks = jax.random.split(key, 8)
    x = jax.random.normal(ks[0], (N, D_IN), dtype=jnp.float32)
    edge_index = jax.random.randint(ks[1], (2, E), 0, N)
    lin1_w = jax.random.normal(ks[2], (D_IN, D_H), dtype=jnp.float32) * (1.0 / math.sqrt(D_IN))
    lin1_b = jnp.zeros((D_H,), dtype=jnp.float32)
    conv_w = jax.random.normal(ks[3], (L, D_H, D_H), dtype=jnp.float32) * (1.0 / math.sqrt(D_H))
    lin2_w = jax.random.normal(ks[4], (D_H, D_OUT), dtype=jnp.float32) * (1.0 / math.sqrt(D_H))
    lin2_b = jnp.zeros((D_OUT,), dtype=jnp.float32)
    return {"x": x, "edge_index": edge_index, "lin1_w": lin1_w, "lin1_b": lin1_b,
            "conv_w": conv_w, "lin2_w": lin2_w, "lin2_b": lin2_b}


def reference(x, edge_index, lin1_w, lin1_b, conv_w, lin2_w, lin2_b):
    # gcn_norm with added self-loops (symmetric normalization), as in PyG GCN2Conv
    row = edge_index[0]
    col = edge_index[1]
    loop = jnp.arange(N, dtype=row.dtype)
    row = jnp.concatenate([row, loop])
    col = jnp.concatenate([col, loop])
    ew = jnp.ones(row.shape[0], dtype=x.dtype)
    deg = jax.ops.segment_sum(ew, col, num_segments=N)
    dinv = jnp.where(deg > 0, jax.lax.rsqrt(jnp.maximum(deg, 1e-12)), 0.0)
    w = dinv[row] * ew * dinv[col]

    # dropout is identity in eval mode (p effectively 0)
    h = jax.nn.relu(x @ lin1_w + lin1_b)
    x0 = h
    for layer in range(L):
        beta = math.log(THETA / (layer + 1) + 1.0)
        # propagate: A_hat @ h via gather + scatter-add (segment_sum)
        m = jax.ops.segment_sum(h[row] * w[:, None], col, num_segments=N)
        m = m * (1.0 - ALPHA) + ALPHA * x0
        # shared_weights=True branch: out = (1-beta)*m + beta*(m @ W)
        h = (1.0 - beta) * m + beta * (m @ conv_w[layer])
        h = jax.nn.relu(h)
    out = h @ lin2_w + lin2_b
    return out

if __name__ == "__main__":
    import jax
    _d = setup_inputs()
    print(jax.jit(kernel)(*tuple(_d.values())))

</pallas_src>

<mosaic_0001>
#map = affine_map<(d0, d1) -> (0, 0)>
#map1 = affine_map<(d0, d1) -> (0)>
#map2 = affine_map<(d0, d1) -> (0, 0, 0)>
module attributes {stable_mosaic.version = 14 : i64} {
  func.func @prop(%arg0: i32, %arg1: i32, %arg2: memref<10000x128xf32, #tpu.memory_space<hbm>>, %arg3: memref<320000xi32, #tpu.memory_space<hbm>>, %arg4: memref<320000xi32, #tpu.memory_space<hbm>>, %arg5: memref<10000x128xf32, #tpu.memory_space<hbm>>, %arg6: memref<2x10000x128xf32, #tpu.memory_space<hbm>>, %arg7: memref<80xi32, #tpu.memory_space<vmem>>, %arg8: memref<80xi32, #tpu.memory_space<vmem>>, %arg9: memref<80x128xf32, #tpu.memory_space<vmem>>, %arg10: memref<10000x128xf32, #tpu.memory_space<vmem_shared>>, %arg11: memref<!tpu.dma_semaphore, #tpu.memory_space<semaphore_mem>>) attributes {dimension_semantics = [#tpu.dimension_semantics<core_parallel>, #tpu.dimension_semantics<subcore_parallel>], iteration_bounds = array<i64: 2, 16>, scalar_prefetch = 0 : i64, scratch_operands = 5 : i64, tpu.core_type = #tpu.core_type<sc_vector_subcore>, window_params = [{transform_indices = #map}, {transform_indices = #map1}, {transform_indices = #map1}, {transform_indices = #map}, {transform_indices = #map2}]} {
    %mul3A = arith.constant 2 : i32
    %mul3A_0 = arith.muli %arg1, %mul3A : i32
    %add3A = arith.addi %mul3A_0, %arg0 : i32
    %mul3A_1 = arith.constant 632 : i32
    %mul3A_2 = arith.muli %arg1, %mul3A_1 : i32
    %min3A = arith.constant 9368 : i32
    %min3A_3 = arith.minsi %mul3A_2, %min3A : i32
    %multiple_of3A = tpu.assume_multiple %min3A_3, 8 : i32
    "tpu.region"() ({
      %run_scoped3A = tpu.sem_alloc : memref<!tpu.dma_semaphore, #tpu.memory_space<semaphore_mem>>
      %dma_start3A = arith.constant 0 : i32
      %dma_start3A_10 = tpu.memref_slice %arg10[%multiple_of3A, %dma_start3A] : memref<10000x128xf32, #tpu.memory_space<vmem_shared>> -> memref<632x128xf32, #tpu.memory_space<vmem_shared>>
      %dma_start3A_11 = arith.constant 0 : i32
      %dma_start3A_12 = tpu.memref_slice %arg5[%multiple_of3A, %dma_start3A_11] : memref<10000x128xf32, #tpu.memory_space<hbm>> -> memref<632x128xf32, #tpu.memory_space<hbm>>
      tpu.enqueue_dma source(%dma_start3A_12 : memref<632x128xf32, #tpu.memory_space<hbm>>) target(%dma_start3A_10 : memref<632x128xf32, #tpu.memory_space<vmem_shared>>) target_semaphore(%run_scoped3A : memref<!tpu.dma_semaphore, #tpu.memory_space<semaphore_mem>>)
      %dma_wait3A = arith.constant 0 : i32
      %dma_wait3A_13 = tpu.memref_slice %arg10[%multiple_of3A, %dma_wait3A] : memref<10000x128xf32, #tpu.memory_space<vmem_shared>> -> memref<632x128xf32, #tpu.memory_space<vmem_shared>>
      %dma_wait3A_14 = arith.constant 0 : i32
      %dma_wait3A_15 = tpu.memref_slice %arg5[%multiple_of3A, %dma_wait3A_14] : memref<10000x128xf32, #tpu.memory_space<hbm>> -> memref<632x128xf32, #tpu.memory_space<hbm>>
      tpu.wait_dma2 semaphore(%run_scoped3A : memref<!tpu.dma_semaphore, #tpu.memory_space<semaphore_mem>>) src(%dma_wait3A_15 : memref<632x128xf32, #tpu.memory_space<hbm>>) dst(%dma_wait3A_13 : memref<632x128xf32, #tpu.memory_space<vmem_shared>>)
      tpu.yield
    }) : () -> ()
    %barrier3A = arith.constant 0 : index
    tpu.barrier barrier_id(%barrier3A)
    %scan3A = arith.constant 0 : i32
    %scan3A_4 = arith.constant 0 : i32
    %scan3A_5 = arith.constant 125 : i32
    %scan3A_6 = arith.addi %scan3A_4, %scan3A_5 : i32
    %scan3A_7 = arith.constant 1 : i32
    scf.for %scan3A_10 = %scan3A_4 to %scan3A_6 step %scan3A_7  : i32 {
      %mul3A_11 = arith.constant 10000 : i32
      %mul3A_12 = arith.muli %add3A, %mul3A_11 : i32
      %mul3A_13 = arith.constant 80 : i32
      %mul3A_14 = arith.muli %scan3A_10, %mul3A_13 : i32
      %add3A_15 = arith.addi %mul3A_12, %mul3A_14 : i32
      %multiple_of3A_16 = tpu.assume_multiple %add3A_15, 8 : i32
      "tpu.region"() ({
        %run_scoped3A = tpu.sem_alloc : memref<!tpu.dma_semaphore, #tpu.memory_space<semaphore_mem>>
        %dma_start3A_21 = tpu.memref_slice %arg3[%multiple_of3A_16] : memref<320000xi32, #tpu.memory_space<hbm>> -> memref<80xi32, #tpu.memory_space<hbm>>
        %dma_start3A_22 = tpu.memref_slice %arg3[%multiple_of3A_16] : memref<320000xi32, #tpu.memory_space<hbm>> -> memref<80xi32, #tpu.memory_space<hbm>>
        tpu.enqueue_dma source(%dma_start3A_22 : memref<80xi32, #tpu.memory_space<hbm>>) target(%arg7 : memref<80xi32, #tpu.memory_space<vmem>>) target_semaphore(%run_scoped3A : memref<!tpu.dma_semaphore, #tpu.memory_space<semaphore_mem>>)
        %dma_wait3A_23 = tpu.memref_slice %arg3[%multiple_of3A_16] : memref<320000xi32, #tpu.memory_space<hbm>> -> memref<80xi32, #tpu.memory_space<hbm>>
        %dma_wait3A_24 = tpu.memref_slice %arg3[%multiple_of3A_16] : memref<320000xi32, #tpu.memory_space<hbm>> -> memref<80xi32, #tpu.memory_space<hbm>>
        tpu.wait_dma2 semaphore(%run_scoped3A : memref<!tpu.dma_semaphore, #tpu.memory_space<semaphore_mem>>) src(%dma_wait3A_24 : memref<80xi32, #tpu.memory_space<hbm>>) dst(%arg7 : memref<80xi32, #tpu.memory_space<vmem>>)
        tpu.yield
      }) : () -> ()
      "tpu.region"() ({
        %run_scoped3A = tpu.sem_alloc : memref<!tpu.dma_semaphore, #tpu.memory_space<semaphore_mem>>
        %dma_start3A_21 = tpu.memref_slice %arg4[%multiple_of3A_16] : memref<320000xi32, #tpu.memory_space<hbm>> -> memref<80xi32, #tpu.memory_space<hbm>>
        %dma_start3A_22 = tpu.memref_slice %arg4[%multiple_of3A_16] : memref<320000xi32, #tpu.memory_space<hbm>> -> memref<80xi32, #tpu.memory_space<hbm>>
        tpu.enqueue_dma source(%dma_start3A_22 : memref<80xi32, #tpu.memory_space<hbm>>) target(%arg8 : memref<80xi32, #tpu.memory_space<vmem>>) target_semaphore(%run_scoped3A : memref<!tpu.dma_semaphore, #tpu.memory_space<semaphore_mem>>)
        %dma_wait3A_23 = tpu.memref_slice %arg4[%multiple_of3A_16] : memref<320000xi32, #tpu.memory_space<hbm>> -> memref<80xi32, #tpu.memory_space<hbm>>
        %dma_wait3A_24 = tpu.memref_slice %arg4[%multiple_of3A_16] : memref<320000xi32, #tpu.memory_space<hbm>> -> memref<80xi32, #tpu.memory_space<hbm>>
        tpu.wait_dma2 semaphore(%run_scoped3A : memref<!tpu.dma_semaphore, #tpu.memory_space<semaphore_mem>>) src(%dma_wait3A_24 : memref<80xi32, #tpu.memory_space<hbm>>) dst(%arg8 : memref<80xi32, #tpu.memory_space<vmem>>)
        tpu.yield
      }) : () -> ()
      %dma_start3A = arith.constant 0 : i32
      %dma_start3A_17 = arith.constant 0 : i32
      %dma_start3A_18 = tpu.memref_slice %arg2[%dma_start3A, %dma_start3A_17] : memref<10000x128xf32, #tpu.memory_space<hbm>> -> memref<10000x128xf32, #tpu.memory_space<hbm>>
      tpu.enqueue_indirect_dma source(%dma_start3A_18 : memref<10000x128xf32, #tpu.memory_space<hbm>>) target(%arg9 : memref<80x128xf32, #tpu.memory_space<vmem>>) offsets(%arg7 : memref<80xi32, #tpu.memory_space<vmem>>) semaphore(%arg11 : memref<!tpu.dma_semaphore, #tpu.memory_space<semaphore_mem>>)
      %dma_wait3A = arith.constant 0 : i32
      %dma_wait3A_19 = arith.constant 0 : i32
      %dma_wait3A_20 = tpu.memref_slice %arg2[%dma_wait3A, %dma_wait3A_19] : memref<10000x128xf32, #tpu.memory_space<hbm>> -> memref<10000x128xf32, #tpu.memory_space<hbm>>
      tpu.wait_indirect_dma semaphore(%arg11 : memref<!tpu.dma_semaphore, #tpu.memory_space<semaphore_mem>>) src(%dma_wait3A_20 : memref<10000x128xf32, #tpu.memory_space<hbm>>) dst(%arg9 : memref<80x128xf32, #tpu.memory_space<vmem>>)
      "tpu.region"() ({
        %run_scoped3A = tpu.sem_alloc : memref<!tpu.dma_semaphore, #tpu.memory_space<semaphore_mem>>
        %dma_start3A_21 = arith.constant 0 : i32
        %dma_start3A_22 = arith.constant 0 : i32
        %dma_start3A_23 = tpu.memref_slice %arg10[%dma_start3A_21, %dma_start3A_22] : memref<10000x128xf32, #tpu.memory_space<vmem_shared>> -> memref<10000x128xf32, #tpu.memory_space<vmem_shared>>
        tpu.enqueue_indirect_dma source(%arg9 : memref<80x128xf32, #tpu.memory_space<vmem>>) target(%dma_start3A_23 : memref<10000x128xf32, #tpu.memory_space<vmem_shared>>) offsets(%arg8 : memref<80xi32, #tpu.memory_space<vmem>>) semaphore(%run_scoped3A : memref<!tpu.dma_semaphore, #tpu.memory_space<semaphore_mem>>) {add = true}
        %dma_wait3A_24 = arith.constant 0 : i32
        %dma_wait3A_25 = arith.constant 0 : i32
        %dma_wait3A_26 = tpu.memref_slice %arg10[%dma_wait3A_24, %dma_wait3A_25] : memref<10000x128xf32, #tpu.memory_space<vmem_shared>> -> memref<10000x128xf32, #tpu.memory_space<vmem_shared>>
        tpu.wait_indirect_dma semaphore(%run_scoped3A : memref<!tpu.dma_semaphore, #tpu.memory_space<semaphore_mem>>) src(%arg9 : memref<80x128xf32, #tpu.memory_space<vmem>>) dst(%dma_wait3A_26 : memref<10000x128xf32, #tpu.memory_space<vmem_shared>>)
        tpu.yield
      }) : () -> ()
    }
    %scan3A_8 = arith.constant 125 : i32
    %barrier3A_9 = arith.constant 0 : index
    tpu.barrier barrier_id(%barrier3A_9)
    "tpu.region"() ({
      %run_scoped3A = tpu.sem_alloc : memref<!tpu.dma_semaphore, #tpu.memory_space<semaphore_mem>>
      %dma_start3A = arith.constant 0 : i32
      %dma_start3A_10 = tpu.memref_slice %arg6[%arg0, %multiple_of3A, %dma_start3A] : memref<2x10000x128xf32, #tpu.memory_space<hbm>> -> memref<1x632x128xf32, #tpu.memory_space<hbm>>
      %dma_start3A_11 = tpu.memref_squeeze %dma_start3A_10 : memref<1x632x128xf32, #tpu.memory_space<hbm>> -> memref<632x128xf32, #tpu.memory_space<hbm>>
      %dma_start3A_12 = arith.constant 0 : i32
      %dma_start3A_13 = tpu.memref_slice %arg10[%multiple_of3A, %dma_start3A_12] : memref<10000x128xf32, #tpu.memory_space<vmem_shared>> -> memref<632x128xf32, #tpu.memory_space<vmem_shared>>
      tpu.enqueue_dma source(%dma_start3A_13 : memref<632x128xf32, #tpu.memory_space<vmem_shared>>) target(%dma_start3A_11 : memref<632x128xf32, #tpu.memory_space<hbm>>) target_semaphore(%run_scoped3A : memref<!tpu.dma_semaphore, #tpu.memory_space<semaphore_mem>>)
      %dma_wait3A = arith.constant 0 : i32
      %dma_wait3A_14 = tpu.memref_slice %arg6[%arg0, %multiple_of3A, %dma_wait3A] : memref<2x10000x128xf32, #tpu.memory_space<hbm>> -> memref<1x632x128xf32, #tpu.memory_space<hbm>>
      %dma_wait3A_15 = tpu.memref_squeeze %dma_wait3A_14 : memref<1x632x128xf32, #tpu.memory_space<hbm>> -> memref<632x128xf32, #tpu.memory_space<hbm>>
      %dma_wait3A_16 = arith.constant 0 : i32
      %dma_wait3A_17 = tpu.memref_slice %arg10[%multiple_of3A, %dma_wait3A_16] : memref<10000x128xf32, #tpu.memory_space<vmem_shared>> -> memref<632x128xf32, #tpu.memory_space<vmem_shared>>
      tpu.wait_dma2 semaphore(%run_scoped3A : memref<!tpu.dma_semaphore, #tpu.memory_space<semaphore_mem>>) src(%dma_wait3A_17 : memref<632x128xf32, #tpu.memory_space<vmem_shared>>) dst(%dma_wait3A_15 : memref<632x128xf32, #tpu.memory_space<hbm>>)
      tpu.yield
    }) : () -> ()
    return
  }
}

#map = affine_map<(d0, d1) -> (0, 0)>
#map1 = affine_map<(d0, d1) -> (0)>
#map2 = affine_map<(d0, d1) -> (0, 0, 0)>
module attributes {stable_mosaic.version = 14 : i64} {
  func.func @prop(%arg0: i32, %arg1: i32, %arg2: memref<10000x128xf32, #tpu.memory_space<hbm>>, %arg3: memref<320000xi32, #tpu.memory_space<hbm>>, %arg4: memref<320000xi32, #tpu.memory_space<hbm>>, %arg5: memref<10000x128xf32, #tpu.memory_space<hbm>>, %arg6: memref<2x10000x128xf32, #tpu.memory_space<hbm>>, %arg7: memref<80xi32, #tpu.memory_space<vmem>>, %arg8: memref<80xi32, #tpu.memory_space<vmem>>, %arg9: memref<80x128xf32, #tpu.memory_space<vmem>>, %arg10: memref<10000x128xf32, #tpu.memory_space<vmem_shared>>, %arg11: memref<!tpu.dma_semaphore, #tpu.memory_space<semaphore_mem>>) attributes {dimension_semantics = [#tpu.dimension_semantics<core_parallel>, #tpu.dimension_semantics<subcore_parallel>], iteration_bounds = array<i64: 2, 16>, scalar_prefetch = 0 : i64, scratch_operands = 5 : i64, tpu.core_type = #tpu.core_type<sc_vector_subcore>, window_params = [{transform_indices = #map}, {transform_indices = #map1}, {transform_indices = #map1}, {transform_indices = #map}, {transform_indices = #map2}]} {
    %mul3A = arith.constant 2 : i32
    %mul3A_0 = arith.muli %arg1, %mul3A : i32
    %add3A = arith.addi %mul3A_0, %arg0 : i32
    %mul3A_1 = arith.constant 632 : i32
    %mul3A_2 = arith.muli %arg1, %mul3A_1 : i32
    %min3A = arith.constant 9368 : i32
    %min3A_3 = arith.minsi %mul3A_2, %min3A : i32
    %multiple_of3A = tpu.assume_multiple %min3A_3, 8 : i32
    "tpu.region"() ({
      %run_scoped3A = tpu.sem_alloc : memref<!tpu.dma_semaphore, #tpu.memory_space<semaphore_mem>>
      %dma_start3A = arith.constant 0 : i32
      %dma_start3A_10 = tpu.memref_slice %arg10[%multiple_of3A, %dma_start3A] : memref<10000x128xf32, #tpu.memory_space<vmem_shared>> -> memref<632x128xf32, #tpu.memory_space<vmem_shared>>
      %dma_start3A_11 = arith.constant 0 : i32
      %dma_start3A_12 = tpu.memref_slice %arg5[%multiple_of3A, %dma_start3A_11] : memref<10000x128xf32, #tpu.memory_space<hbm>> -> memref<632x128xf32, #tpu.memory_space<hbm>>
      tpu.enqueue_dma source(%dma_start3A_12 : memref<632x128xf32, #tpu.memory_space<hbm>>) target(%dma_start3A_10 : memref<632x128xf32, #tpu.memory_space<vmem_shared>>) target_semaphore(%run_scoped3A : memref<!tpu.dma_semaphore, #tpu.memory_space<semaphore_mem>>)
      %dma_wait3A = arith.constant 0 : i32
      %dma_wait3A_13 = tpu.memref_slice %arg10[%multiple_of3A, %dma_wait3A] : memref<10000x128xf32, #tpu.memory_space<vmem_shared>> -> memref<632x128xf32, #tpu.memory_space<vmem_shared>>
      %dma_wait3A_14 = arith.constant 0 : i32
      %dma_wait3A_15 = tpu.memref_slice %arg5[%multiple_of3A, %dma_wait3A_14] : memref<10000x128xf32, #tpu.memory_space<hbm>> -> memref<632x128xf32, #tpu.memory_space<hbm>>
      tpu.wait_dma2 semaphore(%run_scoped3A : memref<!tpu.dma_semaphore, #tpu.memory_space<semaphore_mem>>) src(%dma_wait3A_15 : memref<632x128xf32, #tpu.memory_space<hbm>>) dst(%dma_wait3A_13 : memref<632x128xf32, #tpu.memory_space<vmem_shared>>)
      tpu.yield
    }) : () -> ()
    %barrier3A = arith.constant 0 : index
    tpu.barrier barrier_id(%barrier3A)
    %scan3A = arith.constant 0 : i32
    %scan3A_4 = arith.constant 0 : i32
    %scan3A_5 = arith.constant 125 : i32
    %scan3A_6 = arith.addi %scan3A_4, %scan3A_5 : i32
    %scan3A_7 = arith.constant 1 : i32
    scf.for %scan3A_10 = %scan3A_4 to %scan3A_6 step %scan3A_7  : i32 {
      %mul3A_11 = arith.constant 10000 : i32
      %mul3A_12 = arith.muli %add3A, %mul3A_11 : i32
      %mul3A_13 = arith.constant 80 : i32
      %mul3A_14 = arith.muli %scan3A_10, %mul3A_13 : i32
      %add3A_15 = arith.addi %mul3A_12, %mul3A_14 : i32
      %multiple_of3A_16 = tpu.assume_multiple %add3A_15, 8 : i32
      "tpu.region"() ({
        %run_scoped3A = tpu.sem_alloc : memref<!tpu.dma_semaphore, #tpu.memory_space<semaphore_mem>>
        %dma_start3A_21 = tpu.memref_slice %arg3[%multiple_of3A_16] : memref<320000xi32, #tpu.memory_space<hbm>> -> memref<80xi32, #tpu.memory_space<hbm>>
        %dma_start3A_22 = tpu.memref_slice %arg3[%multiple_of3A_16] : memref<320000xi32, #tpu.memory_space<hbm>> -> memref<80xi32, #tpu.memory_space<hbm>>
        tpu.enqueue_dma source(%dma_start3A_22 : memref<80xi32, #tpu.memory_space<hbm>>) target(%arg7 : memref<80xi32, #tpu.memory_space<vmem>>) target_semaphore(%run_scoped3A : memref<!tpu.dma_semaphore, #tpu.memory_space<semaphore_mem>>)
        %dma_wait3A_23 = tpu.memref_slice %arg3[%multiple_of3A_16] : memref<320000xi32, #tpu.memory_space<hbm>> -> memref<80xi32, #tpu.memory_space<hbm>>
        %dma_wait3A_24 = tpu.memref_slice %arg3[%multiple_of3A_16] : memref<320000xi32, #tpu.memory_space<hbm>> -> memref<80xi32, #tpu.memory_space<hbm>>
        tpu.wait_dma2 semaphore(%run_scoped3A : memref<!tpu.dma_semaphore, #tpu.memory_space<semaphore_mem>>) src(%dma_wait3A_24 : memref<80xi32, #tpu.memory_space<hbm>>) dst(%arg7 : memref<80xi32, #tpu.memory_space<vmem>>)
        tpu.yield
      }) : () -> ()
      "tpu.region"() ({
        %run_scoped3A = tpu.sem_alloc : memref<!tpu.dma_semaphore, #tpu.memory_space<semaphore_mem>>
        %dma_start3A_21 = tpu.memref_slice %arg4[%multiple_of3A_16] : memref<320000xi32, #tpu.memory_space<hbm>> -> memref<80xi32, #tpu.memory_space<hbm>>
        %dma_start3A_22 = tpu.memref_slice %arg4[%multiple_of3A_16] : memref<320000xi32, #tpu.memory_space<hbm>> -> memref<80xi32, #tpu.memory_space<hbm>>
        tpu.enqueue_dma source(%dma_start3A_22 : memref<80xi32, #tpu.memory_space<hbm>>) target(%arg8 : memref<80xi32, #tpu.memory_space<vmem>>) target_semaphore(%run_scoped3A : memref<!tpu.dma_semaphore, #tpu.memory_space<semaphore_mem>>)
        %dma_wait3A_23 = tpu.memref_slice %arg4[%multiple_of3A_16] : memref<320000xi32, #tpu.memory_space<hbm>> -> memref<80xi32, #tpu.memory_space<hbm>>
        %dma_wait3A_24 = tpu.memref_slice %arg4[%multiple_of3A_16] : memref<320000xi32, #tpu.memory_space<hbm>> -> memref<80xi32, #tpu.memory_space<hbm>>
        tpu.wait_dma2 semaphore(%run_scoped3A : memref<!tpu.dma_semaphore, #tpu.memory_space<semaphore_mem>>) src(%dma_wait3A_24 : memref<80xi32, #tpu.memory_space<hbm>>) dst(%arg8 : memref<80xi32, #tpu.memory_space<vmem>>)
        tpu.yield
      }) : () -> ()
      %dma_start3A = arith.constant 0 : i32
      %dma_start3A_17 = arith.constant 0 : i32
      %dma_start3A_18 = tpu.memref_slice %arg2[%dma_start3A, %dma_start3A_17] : memref<10000x128xf32, #tpu.memory_space<hbm>> -> memref<10000x128xf32, #tpu.memory_space<hbm>>
      tpu.enqueue_indirect_dma source(%dma_start3A_18 : memref<10000x128xf32, #tpu.memory_space<hbm>>) target(%arg9 : memref<80x128xf32, #tpu.memory_space<vmem>>) offsets(%arg7 : memref<80xi32, #tpu.memory_space<vmem>>) semaphore(%arg11 : memref<!tpu.dma_semaphore, #tpu.memory_space<semaphore_mem>>)
      %dma_wait3A = arith.constant 0 : i32
      %dma_wait3A_19 = arith.constant 0 : i32
      %dma_wait3A_20 = tpu.memref_slice %arg2[%dma_wait3A, %dma_wait3A_19] : memref<10000x128xf32, #tpu.memory_space<hbm>> -> memref<10000x128xf32, #tpu.memory_space<hbm>>
      tpu.wait_indirect_dma semaphore(%arg11 : memref<!tpu.dma_semaphore, #tpu.memory_space<semaphore_mem>>) src(%dma_wait3A_20 : memref<10000x128xf32, #tpu.memory_space<hbm>>) dst(%arg9 : memref<80x128xf32, #tpu.memory_space<vmem>>)
      "tpu.region"() ({
        %run_scoped3A = tpu.sem_alloc : memref<!tpu.dma_semaphore, #tpu.memory_space<semaphore_mem>>
        %dma_start3A_21 = arith.constant 0 : i32
        %dma_start3A_22 = arith.constant 0 : i32
        %dma_start3A_23 = tpu.memref_slice %arg10[%dma_start3A_21, %dma_start3A_22] : memref<10000x128xf32, #tpu.memory_space<vmem_shared>> -> memref<10000x128xf32, #tpu.memory_space<vmem_shared>>
        tpu.enqueue_indirect_dma source(%arg9 : memref<80x128xf32, #tpu.memory_space<vmem>>) target(%dma_start3A_23 : memref<10000x128xf32, #tpu.memory_space<vmem_shared>>) offsets(%arg8 : memref<80xi32, #tpu.memory_space<vmem>>) semaphore(%run_scoped3A : memref<!tpu.dma_semaphore, #tpu.memory_space<semaphore_mem>>) {add = true}
        %dma_wait3A_24 = arith.constant 0 : i32
        %dma_wait3A_25 = arith.constant 0 : i32
        %dma_wait3A_26 = tpu.memref_slice %arg10[%dma_wait3A_24, %dma_wait3A_25] : memref<10000x128xf32, #tpu.memory_space<vmem_shared>> -> memref<10000x128xf32, #tpu.memory_space<vmem_shared>>
        tpu.wait_indirect_dma semaphore(%run_scoped3A : memref<!tpu.dma_semaphore, #tpu.memory_space<semaphore_mem>>) src(%arg9 : memref<80x128xf32, #tpu.memory_space<vmem>>) dst(%dma_wait3A_26 : memref<10000x128xf32, #tpu.memory_space<vmem_shared>>)
        tpu.yield
      }) : () -> ()
    }
    %scan3A_8 = arith.constant 125 : i32
    %barrier3A_9 = arith.constant 0 : index
    tpu.barrier barrier_id(%barrier3A_9)
    "tpu.region"() ({
      %run_scoped3A = tpu.sem_alloc : memref<!tpu.dma_semaphore, #tpu.memory_space<semaphore_mem>>
      %dma_start3A = arith.constant 0 : i32
      %dma_start3A_10 = tpu.memref_slice %arg6[%arg0, %multiple_of3A, %dma_start3A] : memref<2x10000x128xf32, #tpu.memory_space<hbm>> -> memref<1x632x128xf32, #tpu.memory_space<hbm>>
      %dma_start3A_11 = tpu.memref_squeeze %dma_start3A_10 : memref<1x632x128xf32, #tpu.memory_space<hbm>> -> memref<632x128xf32, #tpu.memory_space<hbm>>
      %dma_start3A_12 = arith.constant 0 : i32
      %dma_start3A_13 = tpu.memref_slice %arg10[%multiple_of3A, %dma_start3A_12] : memref<10000x128xf32, #tpu.memory_space<vmem_shared>> -> memref<632x128xf32, #tpu.memory_space<vmem_shared>>
      tpu.enqueue_dma source(%dma_start3A_13 : memref<632x128xf32, #tpu.memory_space<vmem_shared>>) target(%dma_start3A_11 : memref<632x128xf32, #tpu.memory_space<hbm>>) target_semaphore(%run_scoped3A : memref<!tpu.dma_semaphore, #tpu.memory_space<semaphore_mem>>)
      %dma_wait3A = arith.constant 0 : i32
      %dma_wait3A_14 = tpu.memref_slice %arg6[%arg0, %multiple_of3A, %dma_wait3A] : memref<2x10000x128xf32, #tpu.memory_space<hbm>> -> memref<1x632x128xf32, #tpu.memory_space<hbm>>
      %dma_wait3A_15 = tpu.memref_squeeze %dma_wait3A_14 : memref<1x632x128xf32, #tpu.memory_space<hbm>> -> memref<632x128xf32, #tpu.memory_space<hbm>>
      %dma_wait3A_16 = arith.constant 0 : i32
      %dma_wait3A_17 = tpu.memref_slice %arg10[%multiple_of3A, %dma_wait3A_16] : memref<10000x128xf32, #tpu.memory_space<vmem_shared>> -> memref<632x128xf32, #tpu.memory_space<vmem_shared>>
      tpu.wait_dma2 semaphore(%run_scoped3A : memref<!tpu.dma_semaphore, #tpu.memory_space<semaphore_mem>>) src(%dma_wait3A_17 : memref<632x128xf32, #tpu.memory_space<vmem_shared>>) dst(%dma_wait3A_15 : memref<632x128xf32, #tpu.memory_space<hbm>>)
      tpu.yield
    }) : () -> ()
    return
  }
}

#map = affine_map<(d0, d1) -> (0)>
#map1 = affine_map<(d0, d1) -> (0, 0)>
#map2 = affine_map<(d0, d1) -> (0, 0, 0)>
module attributes {stable_mosaic.version = 14 : i64} {
  func.func @hist(%arg0: i32, %arg1: i32, %arg2: memref<320000xi32, #tpu.memory_space<hbm>>, %arg3: memref<10000x16xf32, #tpu.memory_space<hbm>>, %arg4: memref<80x16xf32, #tpu.memory_space<hbm>>, %arg5: memref<2x10000x16xf32, #tpu.memory_space<hbm>>, %arg6: memref<80xi32, #tpu.memory_space<vmem>>, %arg7: memref<80x16xf32, #tpu.memory_space<vmem>>, %arg8: memref<10000x16xf32, #tpu.memory_space<vmem_shared>>) attributes {dimension_semantics = [#tpu.dimension_semantics<core_parallel>, #tpu.dimension_semantics<subcore_parallel>], iteration_bounds = array<i64: 2, 16>, scalar_prefetch = 0 : i64, scratch_operands = 3 : i64, tpu.core_type = #tpu.core_type<sc_vector_subcore>, window_params = [{transform_indices = #map}, {transform_indices = #map1}, {transform_indices = #map1}, {transform_indices = #map2}]} {
    %mul3A = arith.constant 2 : i32
    %mul3A_0 = arith.muli %arg1, %mul3A : i32
    %add3A = arith.addi %mul3A_0, %arg0 : i32
    %mul3A_1 = arith.constant 632 : i32
    %mul3A_2 = arith.muli %arg1, %mul3A_1 : i32
    %min3A = arith.constant 9368 : i32
    %min3A_3 = arith.minsi %mul3A_2, %min3A : i32
    %multiple_of3A = tpu.assume_multiple %min3A_3, 8 : i32
    "tpu.region"() ({
      %run_scoped3A = tpu.sem_alloc : memref<!tpu.dma_semaphore, #tpu.memory_space<semaphore_mem>>
      tpu.enqueue_dma source(%arg4 : memref<80x16xf32, #tpu.memory_space<hbm>>) target(%arg7 : memref<80x16xf32, #tpu.memory_space<vmem>>) target_semaphore(%run_scoped3A : memref<!tpu.dma_semaphore, #tpu.memory_space<semaphore_mem>>)
      tpu.wait_dma2 semaphore(%run_scoped3A : memref<!tpu.dma_semaphore, #tpu.memory_space<semaphore_mem>>) src(%arg4 : memref<80x16xf32, #tpu.memory_space<hbm>>) dst(%arg7 : memref<80x16xf32, #tpu.memory_space<vmem>>)
      tpu.yield
    }) : () -> ()
    "tpu.region"() ({
      %run_scoped3A = tpu.sem_alloc : memref<!tpu.dma_semaphore, #tpu.memory_space<semaphore_mem>>
      %dma_start3A = arith.constant 0 : i32
      %dma_start3A_10 = tpu.memref_slice %arg8[%multiple_of3A, %dma_start3A] : memref<10000x16xf32, #tpu.memory_space<vmem_shared>> -> memref<632x16xf32, #tpu.memory_space<vmem_shared>>
      %dma_start3A_11 = arith.constant 0 : i32
      %dma_start3A_12 = tpu.memref_slice %arg3[%multiple_of3A, %dma_start3A_11] : memref<10000x16xf32, #tpu.memory_space<hbm>> -> memref<632x16xf32, #tpu.memory_space<hbm>>
      tpu.enqueue_dma source(%dma_start3A_12 : memref<632x16xf32, #tpu.memory_space<hbm>>) target(%dma_start3A_10 : memref<632x16xf32, #tpu.memory_space<vmem_shared>>) target_semaphore(%run_scoped3A : memref<!tpu.dma_semaphore, #tpu.memory_space<semaphore_mem>>)
      %dma_wait3A = arith.constant 0 : i32
      %dma_wait3A_13 = tpu.memref_slice %arg8[%multiple_of3A, %dma_wait3A] : memref<10000x16xf32, #tpu.memory_space<vmem_shared>> -> memref<632x16xf32, #tpu.memory_space<vmem_shared>>
      %dma_wait3A_14 = arith.constant 0 : i32
      %dma_wait3A_15 = tpu.memref_slice %arg3[%multiple_of3A, %dma_wait3A_14] : memref<10000x16xf32, #tpu.memory_space<hbm>> -> memref<632x16xf32, #tpu.memory_space<hbm>>
      tpu.wait_dma2 semaphore(%run_scoped3A : memref<!tpu.dma_semaphore, #tpu.memory_space<semaphore_mem>>) src(%dma_wait3A_15 : memref<632x16xf32, #tpu.memory_space<hbm>>) dst(%dma_wait3A_13 : memref<632x16xf32, #tpu.memory_space<vmem_shared>>)
      tpu.yield
    }) : () -> ()
    %barrier3A = arith.constant 0 : index
    tpu.barrier barrier_id(%barrier3A)
    %scan3A = arith.constant 0 : i32
    %scan3A_4 = arith.constant 0 : i32
    %scan3A_5 = arith.constant 125 : i32
    %scan3A_6 = arith.addi %scan3A_4, %scan3A_5 : i32
    %scan3A_7 = arith.constant 1 : i32
    scf.for %scan3A_10 = %scan3A_4 to %scan3A_6 step %scan3A_7  : i32 {
      %mul3A_11 = arith.constant 10000 : i32
      %mul3A_12 = arith.muli %add3A, %mul3A_11 : i32
      %mul3A_13 = arith.constant 80 : i32
      %mul3A_14 = arith.muli %scan3A_10, %mul3A_13 : i32
      %add3A_15 = arith.addi %mul3A_12, %mul3A_14 : i32
      %multiple_of3A_16 = tpu.assume_multiple %add3A_15, 8 : i32
      "tpu.region"() ({
        %run_scoped3A = tpu.sem_alloc : memref<!tpu.dma_semaphore, #tpu.memory_space<semaphore_mem>>
        %dma_start3A = tpu.memref_slice %arg2[%multiple_of3A_16] : memref<320000xi32, #tpu.memory_space<hbm>> -> memref<80xi32, #tpu.memory_space<hbm>>
        %dma_start3A_17 = tpu.memref_slice %arg2[%multiple_of3A_16] : memref<320000xi32, #tpu.memory_space<hbm>> -> memref<80xi32, #tpu.memory_space<hbm>>
        tpu.enqueue_dma source(%dma_start3A_17 : memref<80xi32, #tpu.memory_space<hbm>>) target(%arg6 : memref<80xi32, #tpu.memory_space<vmem>>) target_semaphore(%run_scoped3A : memref<!tpu.dma_semaphore, #tpu.memory_space<semaphore_mem>>)
        %dma_wait3A = tpu.memref_slice %arg2[%multiple_of3A_16] : memref<320000xi32, #tpu.memory_space<hbm>> -> memref<80xi32, #tpu.memory_space<hbm>>
        %dma_wait3A_18 = tpu.memref_slice %arg2[%multiple_of3A_16] : memref<320000xi32, #tpu.memory_space<hbm>> -> memref<80xi32, #tpu.memory_space<hbm>>
        tpu.wait_dma2 semaphore(%run_scoped3A : memref<!tpu.dma_semaphore, #tpu.memory_space<semaphore_mem>>) src(%dma_wait3A_18 : memref<80xi32, #tpu.memory_space<hbm>>) dst(%arg6 : memref<80xi32, #tpu.memory_space<vmem>>)
        tpu.yield
      }) : () -> ()
      "tpu.region"() ({
        %run_scoped3A = tpu.sem_alloc : memref<!tpu.dma_semaphore, #tpu.memory_space<semaphore_mem>>
        %dma_start3A = arith.constant 0 : i32
        %dma_start3A_17 = arith.constant 0 : i32
        %dma_start3A_18 = tpu.memref_slice %arg8[%dma_start3A, %dma_start3A_17] : memref<10000x16xf32, #tpu.memory_space<vmem_shared>> -> memref<10000x16xf32, #tpu.memory_space<vmem_shared>>
        tpu.enqueue_indirect_dma source(%arg7 : memref<80x16xf32, #tpu.memory_space<vmem>>) target(%dma_start3A_18 : memref<10000x16xf32, #tpu.memory_space<vmem_shared>>) offsets(%arg6 : memref<80xi32, #tpu.memory_space<vmem>>) semaphore(%run_scoped3A : memref<!tpu.dma_semaphore, #tpu.memory_space<semaphore_mem>>) {add = true}
        %dma_wait3A = arith.constant 0 : i32
        %dma_wait3A_19 = arith.constant 0 : i32
        %dma_wait3A_20 = tpu.memref_slice %arg8[%dma_wait3A, %dma_wait3A_19] : memref<10000x16xf32, #tpu.memory_space<vmem_shared>> -> memref<10000x16xf32, #tpu.memory_space<vmem_shared>>
        tpu.wait_indirect_dma semaphore(%run_scoped3A : memref<!tpu.dma_semaphore, #tpu.memory_space<semaphore_mem>>) src(%arg7 : memref<80x16xf32, #tpu.memory_space<vmem>>) dst(%dma_wait3A_20 : memref<10000x16xf32, #tpu.memory_space<vmem_shared>>)
        tpu.yield
      }) : () -> ()
    }
    %scan3A_8 = arith.constant 125 : i32
    %barrier3A_9 = arith.constant 0 : index
    tpu.barrier barrier_id(%barrier3A_9)
    "tpu.region"() ({
      %run_scoped3A = tpu.sem_alloc : memref<!tpu.dma_semaphore, #tpu.memory_space<semaphore_mem>>
      %dma_start3A = arith.constant 0 : i32
      %dma_start3A_10 = tpu.memref_slice %arg5[%arg0, %multiple_of3A, %dma_start3A] : memref<2x10000x16xf32, #tpu.memory_space<hbm>> -> memref<1x632x16xf32, #tpu.memory_space<hbm>>
      %dma_start3A_11 = tpu.memref_squeeze %dma_start3A_10 : memref<1x632x16xf32, #tpu.memory_space<hbm>> -> memref<632x16xf32, #tpu.memory_space<hbm>>
      %dma_start3A_12 = arith.constant 0 : i32
      %dma_start3A_13 = tpu.memref_slice %arg8[%multiple_of3A, %dma_start3A_12] : memref<10000x16xf32, #tpu.memory_space<vmem_shared>> -> memref<632x16xf32, #tpu.memory_space<vmem_shared>>
      tpu.enqueue_dma source(%dma_start3A_13 : memref<632x16xf32, #tpu.memory_space<vmem_shared>>) target(%dma_start3A_11 : memref<632x16xf32, #tpu.memory_space<hbm>>) target_semaphore(%run_scoped3A : memref<!tpu.dma_semaphore, #tpu.memory_space<semaphore_mem>>)
      %dma_wait3A = arith.constant 0 : i32
      %dma_wait3A_14 = tpu.memref_slice %arg5[%arg0, %multiple_of3A, %dma_wait3A] : memref<2x10000x16xf32, #tpu.memory_space<hbm>> -> memref<1x632x16xf32, #tpu.memory_space<hbm>>
      %dma_wait3A_15 = tpu.memref_squeeze %dma_wait3A_14 : memref<1x632x16xf32, #tpu.memory_space<hbm>> -> memref<632x16xf32, #tpu.memory_space<hbm>>
      %dma_wait3A_16 = arith.constant 0 : i32
      %dma_wait3A_17 = tpu.memref_slice %arg8[%multiple_of3A, %dma_wait3A_16] : memref<10000x16xf32, #tpu.memory_space<vmem_shared>> -> memref<632x16xf32, #tpu.memory_space<vmem_shared>>
      tpu.wait_dma2 semaphore(%run_scoped3A : memref<!tpu.dma_semaphore, #tpu.memory_space<semaphore_mem>>) src(%dma_wait3A_17 : memref<632x16xf32, #tpu.memory_space<vmem_shared>>) dst(%dma_wait3A_15 : memref<632x16xf32, #tpu.memory_space<hbm>>)
      tpu.yield
    }) : () -> ()
    return
  }
}

#map = affine_map<(d0, d1) -> (0, 0)>
#map1 = affine_map<(d0, d1) -> (0)>
#map2 = affine_map<(d0, d1) -> (0, 0, 0)>
module attributes {stable_mosaic.version = 14 : i64} {
  func.func @prop(%arg0: i32, %arg1: i32, %arg2: memref<10000x128xf32, #tpu.memory_space<hbm>>, %arg3: memref<320000xi32, #tpu.memory_space<hbm>>, %arg4: memref<320000xi32, #tpu.memory_space<hbm>>, %arg5: memref<10000x128xf32, #tpu.memory_space<hbm>>, %arg6: memref<2x10000x128xf32, #tpu.memory_space<hbm>>, %arg7: memref<80xi32, #tpu.memory_space<vmem>>, %arg8: memref<80xi32, #tpu.memory_space<vmem>>, %arg9: memref<80x128xf32, #tpu.memory_space<vmem>>, %arg10: memref<10000x128xf32, #tpu.memory_space<vmem_shared>>, %arg11: memref<!tpu.dma_semaphore, #tpu.memory_space<semaphore_mem>>) attributes {dimension_semantics = [#tpu.dimension_semantics<core_parallel>, #tpu.dimension_semantics<subcore_parallel>], iteration_bounds = array<i64: 2, 16>, scalar_prefetch = 0 : i64, scratch_operands = 5 : i64, tpu.core_type = #tpu.core_type<sc_vector_subcore>, window_params = [{transform_indices = #map}, {transform_indices = #map1}, {transform_indices = #map1}, {transform_indices = #map}, {transform_indices = #map2}]} {
    %mul3A = arith.constant 2 : i32
    %mul3A_0 = arith.muli %arg1, %mul3A : i32
    %add3A = arith.addi %mul3A_0, %arg0 : i32
    %mul3A_1 = arith.constant 632 : i32
    %mul3A_2 = arith.muli %arg1, %mul3A_1 : i32
    %min3A = arith.constant 9368 : i32
    %min3A_3 = arith.minsi %mul3A_2, %min3A : i32
    %multiple_of3A = tpu.assume_multiple %min3A_3, 8 : i32
    "tpu.region"() ({
      %run_scoped3A = tpu.sem_alloc : memref<!tpu.dma_semaphore, #tpu.memory_space<semaphore_mem>>
      %dma_start3A = arith.constant 0 : i32
      %dma_start3A_10 = tpu.memref_slice %arg10[%multiple_of3A, %dma_start3A] : memref<10000x128xf32, #tpu.memory_space<vmem_shared>> -> memref<632x128xf32, #tpu.memory_space<vmem_shared>>
      %dma_start3A_11 = arith.constant 0 : i32
      %dma_start3A_12 = tpu.memref_slice %arg5[%multiple_of3A, %dma_start3A_11] : memref<10000x128xf32, #tpu.memory_space<hbm>> -> memref<632x128xf32, #tpu.memory_space<hbm>>
      tpu.enqueue_dma source(%dma_start3A_12 : memref<632x128xf32, #tpu.memory_space<hbm>>) target(%dma_start3A_10 : memref<632x128xf32, #tpu.memory_space<vmem_shared>>) target_semaphore(%run_scoped3A : memref<!tpu.dma_semaphore, #tpu.memory_space<semaphore_mem>>)
      %dma_wait3A = arith.constant 0 : i32
      %dma_wait3A_13 = tpu.memref_slice %arg10[%multiple_of3A, %dma_wait3A] : memref<10000x128xf32, #tpu.memory_space<vmem_shared>> -> memref<632x128xf32, #tpu.memory_space<vmem_shared>>
      %dma_wait3A_14 = arith.constant 0 : i32
      %dma_wait3A_15 = tpu.memref_slice %arg5[%multiple_of3A, %dma_wait3A_14] : memref<10000x128xf32, #tpu.memory_space<hbm>> -> memref<632x128xf32, #tpu.memory_space<hbm>>
      tpu.wait_dma2 semaphore(%run_scoped3A : memref<!tpu.dma_semaphore, #tpu.memory_space<semaphore_mem>>) src(%dma_wait3A_15 : memref<632x128xf32, #tpu.memory_space<hbm>>) dst(%dma_wait3A_13 : memref<632x128xf32, #tpu.memory_space<vmem_shared>>)
      tpu.yield
    }) : () -> ()
    %barrier3A = arith.constant 0 : index
    tpu.barrier barrier_id(%barrier3A)
    %scan3A = arith.constant 0 : i32
    %scan3A_4 = arith.constant 0 : i32
    %scan3A_5 = arith.constant 125 : i32
    %scan3A_6 = arith.addi %scan3A_4, %scan3A_5 : i32
    %scan3A_7 = arith.constant 1 : i32
    scf.for %scan3A_10 = %scan3A_4 to %scan3A_6 step %scan3A_7  : i32 {
      %mul3A_11 = arith.constant 10000 : i32
      %mul3A_12 = arith.muli %add3A, %mul3A_11 : i32
      %mul3A_13 = arith.constant 80 : i32
      %mul3A_14 = arith.muli %scan3A_10, %mul3A_13 : i32
      %add3A_15 = arith.addi %mul3A_12, %mul3A_14 : i32
      %multiple_of3A_16 = tpu.assume_multiple %add3A_15, 8 : i32
      "tpu.region"() ({
        %run_scoped3A = tpu.sem_alloc : memref<!tpu.dma_semaphore, #tpu.memory_space<semaphore_mem>>
        %dma_start3A_21 = tpu.memref_slice %arg3[%multiple_of3A_16] : memref<320000xi32, #tpu.memory_space<hbm>> -> memref<80xi32, #tpu.memory_space<hbm>>
        %dma_start3A_22 = tpu.memref_slice %arg3[%multiple_of3A_16] : memref<320000xi32, #tpu.memory_space<hbm>> -> memref<80xi32, #tpu.memory_space<hbm>>
        tpu.enqueue_dma source(%dma_start3A_22 : memref<80xi32, #tpu.memory_space<hbm>>) target(%arg7 : memref<80xi32, #tpu.memory_space<vmem>>) target_semaphore(%run_scoped3A : memref<!tpu.dma_semaphore, #tpu.memory_space<semaphore_mem>>)
        %dma_wait3A_23 = tpu.memref_slice %arg3[%multiple_of3A_16] : memref<320000xi32, #tpu.memory_space<hbm>> -> memref<80xi32, #tpu.memory_space<hbm>>
        %dma_wait3A_24 = tpu.memref_slice %arg3[%multiple_of3A_16] : memref<320000xi32, #tpu.memory_space<hbm>> -> memref<80xi32, #tpu.memory_space<hbm>>
        tpu.wait_dma2 semaphore(%run_scoped3A : memref<!tpu.dma_semaphore, #tpu.memory_space<semaphore_mem>>) src(%dma_wait3A_24 : memref<80xi32, #tpu.memory_space<hbm>>) dst(%arg7 : memref<80xi32, #tpu.memory_space<vmem>>)
        tpu.yield
      }) : () -> ()
      "tpu.region"() ({
        %run_scoped3A = tpu.sem_alloc : memref<!tpu.dma_semaphore, #tpu.memory_space<semaphore_mem>>
        %dma_start3A_21 = tpu.memref_slice %arg4[%multiple_of3A_16] : memref<320000xi32, #tpu.memory_space<hbm>> -> memref<80xi32, #tpu.memory_space<hbm>>
        %dma_start3A_22 = tpu.memref_slice %arg4[%multiple_of3A_16] : memref<320000xi32, #tpu.memory_space<hbm>> -> memref<80xi32, #tpu.memory_space<hbm>>
        tpu.enqueue_dma source(%dma_start3A_22 : memref<80xi32, #tpu.memory_space<hbm>>) target(%arg8 : memref<80xi32, #tpu.memory_space<vmem>>) target_semaphore(%run_scoped3A : memref<!tpu.dma_semaphore, #tpu.memory_space<semaphore_mem>>)
        %dma_wait3A_23 = tpu.memref_slice %arg4[%multiple_of3A_16] : memref<320000xi32, #tpu.memory_space<hbm>> -> memref<80xi32, #tpu.memory_space<hbm>>
        %dma_wait3A_24 = tpu.memref_slice %arg4[%multiple_of3A_16] : memref<320000xi32, #tpu.memory_space<hbm>> -> memref<80xi32, #tpu.memory_space<hbm>>
        tpu.wait_dma2 semaphore(%run_scoped3A : memref<!tpu.dma_semaphore, #tpu.memory_space<semaphore_mem>>) src(%dma_wait3A_24 : memref<80xi32, #tpu.memory_space<hbm>>) dst(%arg8 : memref<80xi32, #tpu.memory_space<vmem>>)
        tpu.yield
      }) : () -> ()
      %dma_start3A = arith.constant 0 : i32
      %dma_start3A_17 = arith.constant 0 : i32
      %dma_start3A_18 = tpu.memref_slice %arg2[%dma_start3A, %dma_start3A_17] : memref<10000x128xf32, #tpu.memory_space<hbm>> -> memref<10000x128xf32, #tpu.memory_space<hbm>>
      tpu.enqueue_indirect_dma source(%dma_start3A_18 : memref<10000x128xf32, #tpu.memory_space<hbm>>) target(%arg9 : memref<80x128xf32, #tpu.memory_space<vmem>>) offsets(%arg7 : memref<80xi32, #tpu.memory_space<vmem>>) semaphore(%arg11 : memref<!tpu.dma_semaphore, #tpu.memory_space<semaphore_mem>>)
      %dma_wait3A = arith.constant 0 : i32
      %dma_wait3A_19 = arith.constant 0 : i32
      %dma_wait3A_20 = tpu.memref_slice %arg2[%dma_wait3A, %dma_wait3A_19] : memref<10000x128xf32, #tpu.memory_space<hbm>> -> memref<10000x128xf32, #tpu.memory_space<hbm>>
      tpu.wait_indirect_dma semaphore(%arg11 : memref<!tpu.dma_semaphore, #tpu.memory_space<semaphore_mem>>) src(%dma_wait3A_20 : memref<10000x128xf32, #tpu.memory_space<hbm>>) dst(%arg9 : memref<80x128xf32, #tpu.memory_space<vmem>>)
      "tpu.region"() ({
        %run_scoped3A = tpu.sem_alloc : memref<!tpu.dma_semaphore, #tpu.memory_space<semaphore_mem>>
        %dma_start3A_21 = arith.constant 0 : i32
        %dma_start3A_22 = arith.constant 0 : i32
        %dma_start3A_23 = tpu.memref_slice %arg10[%dma_start3A_21, %dma_start3A_22] : memref<10000x128xf32, #tpu.memory_space<vmem_shared>> -> memref<10000x128xf32, #tpu.memory_space<vmem_shared>>
        tpu.enqueue_indirect_dma source(%arg9 : memref<80x128xf32, #tpu.memory_space<vmem>>) target(%dma_start3A_23 : memref<10000x128xf32, #tpu.memory_space<vmem_shared>>) offsets(%arg8 : memref<80xi32, #tpu.memory_space<vmem>>) semaphore(%run_scoped3A : memref<!tpu.dma_semaphore, #tpu.memory_space<semaphore_mem>>) {add = true}
        %dma_wait3A_24 = arith.constant 0 : i32
        %dma_wait3A_25 = arith.constant 0 : i32
        %dma_wait3A_26 = tpu.memref_slice %arg10[%dma_wait3A_24, %dma_wait3A_25] : memref<10000x128xf32, #tpu.memory_space<vmem_shared>> -> memref<10000x128xf32, #tpu.memory_space<vmem_shared>>
        tpu.wait_indirect_dma semaphore(%run_scoped3A : memref<!tpu.dma_semaphore, #tpu.memory_space<semaphore_mem>>) src(%arg9 : memref<80x128xf32, #tpu.memory_space<vmem>>) dst(%dma_wait3A_26 : memref<10000x128xf32, #tpu.memory_space<vmem_shared>>)
        tpu.yield
      }) : () -> ()
    }
    %scan3A_8 = arith.constant 125 : i32
    %barrier3A_9 = arith.constant 0 : index
    tpu.barrier barrier_id(%barrier3A_9)
    "tpu.region"() ({
      %run_scoped3A = tpu.sem_alloc : memref<!tpu.dma_semaphore, #tpu.memory_space<semaphore_mem>>
      %dma_start3A = arith.constant 0 : i32
      %dma_start3A_10 = tpu.memref_slice %arg6[%arg0, %multiple_of3A, %dma_start3A] : memref<2x10000x128xf32, #tpu.memory_space<hbm>> -> memref<1x632x128xf32, #tpu.memory_space<hbm>>
      %dma_start3A_11 = tpu.memref_squeeze %dma_start3A_10 : memref<1x632x128xf32, #tpu.memory_space<hbm>> -> memref<632x128xf32, #tpu.memory_space<hbm>>
      %dma_start3A_12 = arith.constant 0 : i32
      %dma_start3A_13 = tpu.memref_slice %arg10[%multiple_of3A, %dma_start3A_12] : memref<10000x128xf32, #tpu.memory_space<vmem_shared>> -> memref<632x128xf32, #tpu.memory_space<vmem_shared>>
      tpu.enqueue_dma source(%dma_start3A_13 : memref<632x128xf32, #tpu.memory_space<vmem_shared>>) target(%dma_start3A_11 : memref<632x128xf32, #tpu.memory_space<hbm>>) target_semaphore(%run_scoped3A : memref<!tpu.dma_semaphore, #tpu.memory_space<semaphore_mem>>)
      %dma_wait3A = arith.constant 0 : i32
      %dma_wait3A_14 = tpu.memref_slice %arg6[%arg0, %multiple_of3A, %dma_wait3A] : memref<2x10000x128xf32, #tpu.memory_space<hbm>> -> memref<1x632x128xf32, #tpu.memory_space<hbm>>
      %dma_wait3A_15 = tpu.memref_squeeze %dma_wait3A_14 : memref<1x632x128xf32, #tpu.memory_space<hbm>> -> memref<632x128xf32, #tpu.memory_space<hbm>>
      %dma_wait3A_16 = arith.constant 0 : i32
      %dma_wait3A_17 = tpu.memref_slice %arg10[%multiple_of3A, %dma_wait3A_16] : memref<10000x128xf32, #tpu.memory_space<vmem_shared>> -> memref<632x128xf32, #tpu.memory_space<vmem_shared>>
      tpu.wait_dma2 semaphore(%run_scoped3A : memref<!tpu.dma_semaphore, #tpu.memory_space<semaphore_mem>>) src(%dma_wait3A_17 : memref<632x128xf32, #tpu.memory_space<vmem_shared>>) dst(%dma_wait3A_15 : memref<632x128xf32, #tpu.memory_space<hbm>>)
      tpu.yield
    }) : () -> ()
    return
  }
}

#map = affine_map<(d0, d1) -> (0, 0)>
#map1 = affine_map<(d0, d1) -> (0)>
#map2 = affine_map<(d0, d1) -> (0, 0, 0)>
module attributes {stable_mosaic.version = 14 : i64} {
  func.func @prop(%arg0: i32, %arg1: i32, %arg2: memref<10000x128xf32, #tpu.memory_space<hbm>>, %arg3: memref<320000xi32, #tpu.memory_space<hbm>>, %arg4: memref<320000xi32, #tpu.memory_space<hbm>>, %arg5: memref<10000x128xf32, #tpu.memory_space<hbm>>, %arg6: memref<2x10000x128xf32, #tpu.memory_space<hbm>>, %arg7: memref<80xi32, #tpu.memory_space<vmem>>, %arg8: memref<80xi32, #tpu.memory_space<vmem>>, %arg9: memref<80x128xf32, #tpu.memory_space<vmem>>, %arg10: memref<10000x128xf32, #tpu.memory_space<vmem_shared>>, %arg11: memref<!tpu.dma_semaphore, #tpu.memory_space<semaphore_mem>>) attributes {dimension_semantics = [#tpu.dimension_semantics<core_parallel>, #tpu.dimension_semantics<subcore_parallel>], iteration_bounds = array<i64: 2, 16>, scalar_prefetch = 0 : i64, scratch_operands = 5 : i64, tpu.core_type = #tpu.core_type<sc_vector_subcore>, window_params = [{transform_indices = #map}, {transform_indices = #map1}, {transform_indices = #map1}, {transform_indices = #map}, {transform_indices = #map2}]} {
    %mul3A = arith.constant 2 : i32
    %mul3A_0 = arith.muli %arg1, %mul3A : i32
    %add3A = arith.addi %mul3A_0, %arg0 : i32
    %mul3A_1 = arith.constant 632 : i32
    %mul3A_2 = arith.muli %arg1, %mul3A_1 : i32
    %min3A = arith.constant 9368 : i32
    %min3A_3 = arith.minsi %mul3A_2, %min3A : i32
    %multiple_of3A = tpu.assume_multiple %min3A_3, 8 : i32
    "tpu.region"() ({
      %run_scoped3A = tpu.sem_alloc : memref<!tpu.dma_semaphore, #tpu.memory_space<semaphore_mem>>
      %dma_start3A = arith.constant 0 : i32
      %dma_start3A_10 = tpu.memref_slice %arg10[%multiple_of3A, %dma_start3A] : memref<10000x128xf32, #tpu.memory_space<vmem_shared>> -> memref<632x128xf32, #tpu.memory_space<vmem_shared>>
      %dma_start3A_11 = arith.constant 0 : i32
      %dma_start3A_12 = tpu.memref_slice %arg5[%multiple_of3A, %dma_start3A_11] : memref<10000x128xf32, #tpu.memory_space<hbm>> -> memref<632x128xf32, #tpu.memory_space<hbm>>
      tpu.enqueue_dma source(%dma_start3A_12 : memref<632x128xf32, #tpu.memory_space<hbm>>) target(%dma_start3A_10 : memref<632x128xf32, #tpu.memory_space<vmem_shared>>) target_semaphore(%run_scoped3A : memref<!tpu.dma_semaphore, #tpu.memory_space<semaphore_mem>>)
      %dma_wait3A = arith.constant 0 : i32
      %dma_wait3A_13 = tpu.memref_slice %arg10[%multiple_of3A, %dma_wait3A] : memref<10000x128xf32, #tpu.memory_space<vmem_shared>> -> memref<632x128xf32, #tpu.memory_space<vmem_shared>>
      %dma_wait3A_14 = arith.constant 0 : i32
      %dma_wait3A_15 = tpu.memref_slice %arg5[%multiple_of3A, %dma_wait3A_14] : memref<10000x128xf32, #tpu.memory_space<hbm>> -> memref<632x128xf32, #tpu.memory_space<hbm>>
      tpu.wait_dma2 semaphore(%run_scoped3A : memref<!tpu.dma_semaphore, #tpu.memory_space<semaphore_mem>>) src(%dma_wait3A_15 : memref<632x128xf32, #tpu.memory_space<hbm>>) dst(%dma_wait3A_13 : memref<632x128xf32, #tpu.memory_space<vmem_shared>>)
      tpu.yield
    }) : () -> ()
    %barrier3A = arith.constant 0 : index
    tpu.barrier barrier_id(%barrier3A)
    %scan3A = arith.constant 0 : i32
    %scan3A_4 = arith.constant 0 : i32
    %scan3A_5 = arith.constant 125 : i32
    %scan3A_6 = arith.addi %scan3A_4, %scan3A_5 : i32
    %scan3A_7 = arith.constant 1 : i32
    scf.for %scan3A_10 = %scan3A_4 to %scan3A_6 step %scan3A_7  : i32 {
      %mul3A_11 = arith.constant 10000 : i32
      %mul3A_12 = arith.muli %add3A, %mul3A_11 : i32
      %mul3A_13 = arith.constant 80 : i32
      %mul3A_14 = arith.muli %scan3A_10, %mul3A_13 : i32
      %add3A_15 = arith.addi %mul3A_12, %mul3A_14 : i32
      %multiple_of3A_16 = tpu.assume_multiple %add3A_15, 8 : i32
      "tpu.region"() ({
        %run_scoped3A = tpu.sem_alloc : memref<!tpu.dma_semaphore, #tpu.memory_space<semaphore_mem>>
        %dma_start3A_21 = tpu.memref_slice %arg3[%multiple_of3A_16] : memref<320000xi32, #tpu.memory_space<hbm>> -> memref<80xi32, #tpu.memory_space<hbm>>
        %dma_start3A_22 = tpu.memref_slice %arg3[%multiple_of3A_16] : memref<320000xi32, #tpu.memory_space<hbm>> -> memref<80xi32, #tpu.memory_space<hbm>>
        tpu.enqueue_dma source(%dma_start3A_22 : memref<80xi32, #tpu.memory_space<hbm>>) target(%arg7 : memref<80xi32, #tpu.memory_space<vmem>>) target_semaphore(%run_scoped3A : memref<!tpu.dma_semaphore, #tpu.memory_space<semaphore_mem>>)
        %dma_wait3A_23 = tpu.memref_slice %arg3[%multiple_of3A_16] : memref<320000xi32, #tpu.memory_space<hbm>> -> memref<80xi32, #tpu.memory_space<hbm>>
        %dma_wait3A_24 = tpu.memref_slice %arg3[%multiple_of3A_16] : memref<320000xi32, #tpu.memory_space<hbm>> -> memref<80xi32, #tpu.memory_space<hbm>>
        tpu.wait_dma2 semaphore(%run_scoped3A : memref<!tpu.dma_semaphore, #tpu.memory_space<semaphore_mem>>) src(%dma_wait3A_24 : memref<80xi32, #tpu.memory_space<hbm>>) dst(%arg7 : memref<80xi32, #tpu.memory_space<vmem>>)
        tpu.yield
      }) : () -> ()
      "tpu.region"() ({
        %run_scoped3A = tpu.sem_alloc : memref<!tpu.dma_semaphore, #tpu.memory_space<semaphore_mem>>
        %dma_start3A_21 = tpu.memref_slice %arg4[%multiple_of3A_16] : memref<320000xi32, #tpu.memory_space<hbm>> -> memref<80xi32, #tpu.memory_space<hbm>>
        %dma_start3A_22 = tpu.memref_slice %arg4[%multiple_of3A_16] : memref<320000xi32, #tpu.memory_space<hbm>> -> memref<80xi32, #tpu.memory_space<hbm>>
        tpu.enqueue_dma source(%dma_start3A_22 : memref<80xi32, #tpu.memory_space<hbm>>) target(%arg8 : memref<80xi32, #tpu.memory_space<vmem>>) target_semaphore(%run_scoped3A : memref<!tpu.dma_semaphore, #tpu.memory_space<semaphore_mem>>)
        %dma_wait3A_23 = tpu.memref_slice %arg4[%multiple_of3A_16] : memref<320000xi32, #tpu.memory_space<hbm>> -> memref<80xi32, #tpu.memory_space<hbm>>
        %dma_wait3A_24 = tpu.memref_slice %arg4[%multiple_of3A_16] : memref<320000xi32, #tpu.memory_space<hbm>> -> memref<80xi32, #tpu.memory_space<hbm>>
        tpu.wait_dma2 semaphore(%run_scoped3A : memref<!tpu.dma_semaphore, #tpu.memory_space<semaphore_mem>>) src(%dma_wait3A_24 : memref<80xi32, #tpu.memory_space<hbm>>) dst(%arg8 : memref<80xi32, #tpu.memory_space<vmem>>)
        tpu.yield
      }) : () -> ()
      %dma_start3A = arith.constant 0 : i32
      %dma_start3A_17 = arith.constant 0 : i32
      %dma_start3A_18 = tpu.memref_slice %arg2[%dma_start3A, %dma_start3A_17] : memref<10000x128xf32, #tpu.memory_space<hbm>> -> memref<10000x128xf32, #tpu.memory_space<hbm>>
      tpu.enqueue_indirect_dma source(%dma_start3A_18 : memref<10000x128xf32, #tpu.memory_space<hbm>>) target(%arg9 : memref<80x128xf32, #tpu.memory_space<vmem>>) offsets(%arg7 : memref<80xi32, #tpu.memory_space<vmem>>) semaphore(%arg11 : memref<!tpu.dma_semaphore, #tpu.memory_space<semaphore_mem>>)
      %dma_wait3A = arith.constant 0 : i32
      %dma_wait3A_19 = arith.constant 0 : i32
      %dma_wait3A_20 = tpu.memref_slice %arg2[%dma_wait3A, %dma_wait3A_19] : memref<10000x128xf32, #tpu.memory_space<hbm>> -> memref<10000x128xf32, #tpu.memory_space<hbm>>
      tpu.wait_indirect_dma semaphore(%arg11 : memref<!tpu.dma_semaphore, #tpu.memory_space<semaphore_mem>>) src(%dma_wait3A_20 : memref<10000x128xf32, #tpu.memory_space<hbm>>) dst(%arg9 : memref<80x128xf32, #tpu.memory_space<vmem>>)
      "tpu.region"() ({
        %run_scoped3A = tpu.sem_alloc : memref<!tpu.dma_semaphore, #tpu.memory_space<semaphore_mem>>
        %dma_start3A_21 = arith.constant 0 : i32
        %dma_start3A_22 = arith.constant 0 : i32
        %dma_start3A_23 = tpu.memref_slice %arg10[%dma_start3A_21, %dma_start3A_22] : memref<10000x128xf32, #tpu.memory_space<vmem_shared>> -> memref<10000x128xf32, #tpu.memory_space<vmem_shared>>
        tpu.enqueue_indirect_dma source(%arg9 : memref<80x128xf32, #tpu.memory_space<vmem>>) target(%dma_start3A_23 : memref<10000x128xf32, #tpu.memory_space<vmem_shared>>) offsets(%arg8 : memref<80xi32, #tpu.memory_space<vmem>>) semaphore(%run_scoped3A : memref<!tpu.dma_semaphore, #tpu.memory_space<semaphore_mem>>) {add = true}
        %dma_wait3A_24 = arith.constant 0 : i32
        %dma_wait3A_25 = arith.constant 0 : i32
        %dma_wait3A_26 = tpu.memref_slice %arg10[%dma_wait3A_24, %dma_wait3A_25] : memref<10000x128xf32, #tpu.memory_space<vmem_shared>> -> memref<10000x128xf32, #tpu.memory_space<vmem_shared>>
        tpu.wait_indirect_dma semaphore(%run_scoped3A : memref<!tpu.dma_semaphore, #tpu.memory_space<semaphore_mem>>) src(%arg9 : memref<80x128xf32, #tpu.memory_space<vmem>>) dst(%dma_wait3A_26 : memref<10000x128xf32, #tpu.memory_space<vmem_shared>>)
        tpu.yield
      }) : () -> ()
    }
    %scan3A_8 = arith.constant 125 : i32
    %barrier3A_9 = arith.constant 0 : index
    tpu.barrier barrier_id(%barrier3A_9)
    "tpu.region"() ({
      %run_scoped3A = tpu.sem_alloc : memref<!tpu.dma_semaphore, #tpu.memory_space<semaphore_mem>>
      %dma_start3A = arith.constant 0 : i32
      %dma_start3A_10 = tpu.memref_slice %arg6[%arg0, %multiple_of3A, %dma_start3A] : memref<2x10000x128xf32, #tpu.memory_space<hbm>> -> memref<1x632x128xf32, #tpu.memory_space<hbm>>
      %dma_start3A_11 = tpu.memref_squeeze %dma_start3A_10 : memref<1x632x128xf32, #tpu.memory_space<hbm>> -> memref<632x128xf32, #tpu.memory_space<hbm>>
      %dma_start3A_12 = arith.constant 0 : i32
      %dma_start3A_13 = tpu.memref_slice %arg10[%multiple_of3A, %dma_start3A_12] : memref<10000x128xf32, #tpu.memory_space<vmem_shared>> -> memref<632x128xf32, #tpu.memory_space<vmem_shared>>
      tpu.enqueue_dma source(%dma_start3A_13 : memref<632x128xf32, #tpu.memory_space<vmem_shared>>) target(%dma_start3A_11 : memref<632x128xf32, #tpu.memory_space<hbm>>) target_semaphore(%run_scoped3A : memref<!tpu.dma_semaphore, #tpu.memory_space<semaphore_mem>>)
      %dma_wait3A = arith.constant 0 : i32
      %dma_wait3A_14 = tpu.memref_slice %arg6[%arg0, %multiple_of3A, %dma_wait3A] : memref<2x10000x128xf32, #tpu.memory_space<hbm>> -> memref<1x632x128xf32, #tpu.memory_space<hbm>>
      %dma_wait3A_15 = tpu.memref_squeeze %dma_wait3A_14 : memref<1x632x128xf32, #tpu.memory_space<hbm>> -> memref<632x128xf32, #tpu.memory_space<hbm>>
      %dma_wait3A_16 = arith.constant 0 : i32
      %dma_wait3A_17 = tpu.memref_slice %arg10[%multiple_of3A, %dma_wait3A_16] : memref<10000x128xf32, #tpu.memory_space<vmem_shared>> -> memref<632x128xf32, #tpu.memory_space<vmem_shared>>
      tpu.wait_dma2 semaphore(%run_scoped3A : memref<!tpu.dma_semaphore, #tpu.memory_space<semaphore_mem>>) src(%dma_wait3A_17 : memref<632x128xf32, #tpu.memory_space<vmem_shared>>) dst(%dma_wait3A_15 : memref<632x128xf32, #tpu.memory_space<hbm>>)
      tpu.yield
    }) : () -> ()
    return
  }
}

module attributes {stable_mosaic.version = 14 : i64} {
  func.func @_tc1_body(%arg0: i32, %arg1: memref<2000x128xf32, #tpu.memory_space<vmem>>, %arg2: memref<128x128xf32, #tpu.memory_space<vmem>>, %arg3: memref<1x128xf32, #tpu.memory_space<vmem>>, %arg4: memref<2x2000x16xf32, #tpu.memory_space<vmem>>, %arg5: memref<2000x128xf32, #tpu.memory_space<vmem>>, %arg6: memref<2000x128xf32, #tpu.memory_space<vmem>>) attributes {dimension_semantics = [#tpu.dimension_semantics<arbitrary>], iteration_bounds = array<i64: 5>, scalar_prefetch = 0 : i64, scratch_operands = 0 : i64, tpu.core_type = #tpu.core_type<tc>, window_params = [{transform_indices = @transform_0, window_bounds = array<i64: 2000, 128>}, {pipeline_mode = #tpu.pipeline_mode<synchronous>, transform_indices = @transform_1, window_bounds = array<i64: 128, 128>}, {pipeline_mode = #tpu.pipeline_mode<synchronous>, transform_indices = @transform_2, window_bounds = array<i64: 1, 128>}, {transform_indices = @transform_3, window_bounds = array<i64: 2, 2000, 16>}, {transform_indices = @transform_4, window_bounds = array<i64: 2000, 128>}, {transform_indices = @transform_5, window_bounds = array<i64: 2000, 128>}]} {
    %get3A = arith.constant 0 : index
    %get3A_0 = arith.constant 0 : index
    %get3A_1 = vector.load %arg1[%get3A, %get3A_0] : memref<2000x128xf32, #tpu.memory_space<vmem>>, vector<2000x128xf32>
    %get3A_2 = arith.constant 0 : index
    %get3A_3 = arith.constant 0 : index
    %get3A_4 = vector.load %arg2[%get3A_2, %get3A_3] : memref<128x128xf32, #tpu.memory_space<vmem>>, vector<128x128xf32>
    %dot_general3A = arith.constant dense<0.000000e+00> : vector<2000x128xf32>
    %dot_general3A_5 = tpu.matmul %get3A_1, %get3A_4, %dot_general3A {dimension_numbers = #tpu.dot_dimension_numbers<[1], [0], [0], [1], [0, 0, 1, 1], [], []>, transpose_lhs_hint = false} : vector<2000x128xf32>, vector<128x128xf32>, vector<2000x128xf32> -> vector<2000x128xf32>
    %get3A_6 = arith.constant 0 : index
    %get3A_7 = arith.constant 0 : index
    %get3A_8 = vector.load %arg3[%get3A_6, %get3A_7] : memref<1x128xf32, #tpu.memory_space<vmem>>, vector<1x128xf32>
    %add3A = vector.broadcast %get3A_8 : vector<1x128xf32> to vector<2000x128xf32>
    %add3A_9 = arith.addf %dot_general3A_5, %add3A : vector<2000x128xf32>
    %max3A = arith.constant 0.000000e+00 : f32
    %max3A_10 = vector.broadcast %max3A : f32 to vector<2000x128xf32>
    %max3A_11 = arith.maximumf %add3A_9, %max3A_10 : vector<2000x128xf32>
    %swap3A = arith.constant 0 : index
    %swap3A_12 = arith.constant 0 : index
    %swap3A_13 = vector.load %arg5[%swap3A, %swap3A_12] : memref<2000x128xf32, #tpu.memory_space<vmem>>, vector<2000x128xf32>
    tpu.vector_store %arg5[%swap3A, %swap3A_12], %max3A_11 {strides = array<i32>} : memref<2000x128xf32, #tpu.memory_space<vmem>>, vector<2000x128xf32>,
    %get3A_14 = arith.constant 0 : index
    %get3A_15 = arith.constant 0 : index
    %get3A_16 = arith.constant 0 : index
    %get3A_17 = vector.load %arg4[%get3A_14, %get3A_15, %get3A_16] : memref<2x2000x16xf32, #tpu.memory_space<vmem>>, vector<1x2000x16xf32>
    %get3A_18 = vector.shape_cast %get3A_17 : vector<1x2000x16xf32> to vector<2000x16xf32>
    %reduce_sum3A = arith.constant dense<0.000000e+00> : vector<2000xf32>
    %reduce_sum3A_19 = vector.multi_reduction <add>, %get3A_18, %reduce_sum3A [1] : vector<2000x16xf32> to vector<2000xf32>
    %broadcast_in_dim3A = vector.shape_cast %reduce_sum3A_19 : vector<2000xf32> to vector<2000x1xf32>
    %get3A_20 = arith.constant 1 : index
    %get3A_21 = arith.constant 0 : index
    %get3A_22 = arith.constant 0 : index
    %get3A_23 = vector.load %arg4[%get3A_20, %get3A_21, %get3A_22] : memref<2x2000x16xf32, #tpu.memory_space<vmem>>, vector<1x2000x16xf32>
    %get3A_24 = vector.shape_cast %get3A_23 : vector<1x2000x16xf32> to vector<2000x16xf32>
    %reduce_sum3A_25 = arith.constant dense<0.000000e+00> : vector<2000xf32>
    %reduce_sum3A_26 = vector.multi_reduction <add>, %get3A_24, %reduce_sum3A_25 [1] : vector<2000x16xf32> to vector<2000xf32>
    %broadcast_in_dim3A_27 = vector.shape_cast %reduce_sum3A_26 : vector<2000xf32> to vector<2000x1xf32>
    %add3A_28 = arith.addf %broadcast_in_dim3A, %broadcast_in_dim3A_27 : vector<2000x1xf32>
    %add3A_29 = arith.constant 1.000000e+00 : f32
    %add3A_30 = vector.broadcast %add3A_29 : f32 to vector<2000x1xf32>
    %add3A_31 = arith.addf %add3A_28, %add3A_30 : vector<2000x1xf32>
    %rsqrt3A = math.rsqrt %add3A_31 : vector<2000x1xf32>
    %mul3A = vector.broadcast %rsqrt3A : vector<2000x1xf32> to vector<2000x128xf32>
    %mul3A_32 = arith.mulf %mul3A, %max3A_11 : vector<2000x128xf32>
    %swap3A_33 = arith.constant 0 : index
    %swap3A_34 = arith.constant 0 : index
    %swap3A_35 = vector.load %arg6[%swap3A_33, %swap3A_34] : memref<2000x128xf32, #tpu.memory_space<vmem>>, vector<2000x128xf32>
    tpu.vector_store %arg6[%swap3A_33, %swap3A_34], %mul3A_32 {strides = array<i32>} : memref<2000x128xf32, #tpu.memory_space<vmem>>, vector<2000x128xf32>,
    return
  }
  func.func @transform_0(%arg0: i32) -> (i32, i32) {
    %c0_i32 = arith.constant 0 : i32
    %c0_i32_0 = arith.constant 0 : i32
    return %arg0, %c0_i32 : i32, i32
  }
  func.func @transform_1(%arg0: i32) -> (i32, i32) {
    %c0_i32 = arith.constant 0 : i32
    %c0_i32_0 = arith.constant 0 : i32
    %c0_i32_1 = arith.constant 0 : i32
    return %c0_i32, %c0_i32_0 : i32, i32
  }
  func.func @transform_2(%arg0: i32) -> (i32, i32) {
    %c0_i32 = arith.constant 0 : i32
    %c0_i32_0 = arith.constant 0 : i32
    %c0_i32_1 = arith.constant 0 : i32
    return %c0_i32, %c0_i32_0 : i32, i32
  }
  func.func @transform_3(%arg0: i32) -> (i32, i32, i32) {
    %c0_i32 = arith.constant 0 : i32
    %c0_i32_0 = arith.constant 0 : i32
    %c0_i32_1 = arith.constant 0 : i32
    return %c0_i32, %arg0, %c0_i32_0 : i32, i32, i32
  }
  func.func @transform_4(%arg0: i32) -> (i32, i32) {
    %c0_i32 = arith.constant 0 : i32
    %c0_i32_0 = arith.constant 0 : i32
    return %arg0, %c0_i32 : i32, i32
  }
  func.func @transform_5(%arg0: i32) -> (i32, i32) {
    %c0_i32 = arith.constant 0 : i32
    %c0_i32_0 = arith.constant 0 : i32
    return %arg0, %c0_i32 : i32, i32
  }
}

module attributes {stable_mosaic.version = 14 : i64} {
  func.func @_layer_body(%arg0: i32, %arg1: memref<2x2000x16xf32, #tpu.memory_space<vmem>>, %arg2: memref<2x2000x128xf32, #tpu.memory_space<vmem>>, %arg3: memref<2000x128xf32, #tpu.memory_space<vmem>>, %arg4: memref<2000x128xf32, #tpu.memory_space<vmem>>, %arg5: memref<128x128xf32, #tpu.memory_space<vmem>>, %arg6: memref<2000x128xf32, #tpu.memory_space<vmem>>, %arg7: memref<2000x128xf32, #tpu.memory_space<vmem>>) attributes {dimension_semantics = [#tpu.dimension_semantics<arbitrary>], iteration_bounds = array<i64: 5>, scalar_prefetch = 0 : i64, scratch_operands = 0 : i64, tpu.core_type = #tpu.core_type<tc>, window_params = [{transform_indices = @transform_0, window_bounds = array<i64: 2, 2000, 16>}, {transform_indices = @transform_1, window_bounds = array<i64: 2, 2000, 128>}, {transform_indices = @transform_2, window_bounds = array<i64: 2000, 128>}, {transform_indices = @transform_3, window_bounds = array<i64: 2000, 128>}, {pipeline_mode = #tpu.pipeline_mode<synchronous>, transform_indices = @transform_4, window_bounds = array<i64: 128, 128>}, {transform_indices = @transform_5, window_bounds = array<i64: 2000, 128>}, {transform_indices = @transform_6, window_bounds = array<i64: 2000, 128>}]} {
    %get3A = arith.constant 0 : index
    %get3A_0 = arith.constant 0 : index
    %get3A_1 = arith.constant 0 : index
    %get3A_2 = vector.load %arg1[%get3A, %get3A_0, %get3A_1] : memref<2x2000x16xf32, #tpu.memory_space<vmem>>, vector<1x2000x16xf32>
    %get3A_3 = vector.shape_cast %get3A_2 : vector<1x2000x16xf32> to vector<2000x16xf32>
    %reduce_sum3A = arith.constant dense<0.000000e+00> : vector<2000xf32>
    %reduce_sum3A_4 = vector.multi_reduction <add>, %get3A_3, %reduce_sum3A [1] : vector<2000x16xf32> to vector<2000xf32>
    %broadcast_in_dim3A = vector.shape_cast %reduce_sum3A_4 : vector<2000xf32> to vector<2000x1xf32>
    %get3A_5 = arith.constant 1 : index
    %get3A_6 = arith.constant 0 : index
    %get3A_7 = arith.constant 0 : index
    %get3A_8 = vector.load %arg1[%get3A_5, %get3A_6, %get3A_7] : memref<2x2000x16xf32, #tpu.memory_space<vmem>>, vector<1x2000x16xf32>
    %get3A_9 = vector.shape_cast %get3A_8 : vector<1x2000x16xf32> to vector<2000x16xf32>
    %reduce_sum3A_10 = arith.constant dense<0.000000e+00> : vector<2000xf32>
    %reduce_sum3A_11 = vector.multi_reduction <add>, %get3A_9, %reduce_sum3A_10 [1] : vector<2000x16xf32> to vector<2000xf32>
    %broadcast_in_dim3A_12 = vector.shape_cast %reduce_sum3A_11 : vector<2000xf32> to vector<2000x1xf32>
    %add3A = arith.addf %broadcast_in_dim3A, %broadcast_in_dim3A_12 : vector<2000x1xf32>
    %add3A_13 = arith.constant 1.000000e+00 : f32
    %add3A_14 = vector.broadcast %add3A_13 : f32 to vector<2000x1xf32>
    %add3A_15 = arith.addf %add3A, %add3A_14 : vector<2000x1xf32>
    %rsqrt3A = math.rsqrt %add3A_15 : vector<2000x1xf32>
    %get3A_16 = arith.constant 0 : index
    %get3A_17 = arith.constant 0 : index
    %get3A_18 = arith.constant 0 : index
    %get3A_19 = vector.load %arg2[%get3A_16, %get3A_17, %get3A_18] : memref<2x2000x128xf32, #tpu.memory_space<vmem>>, vector<1x2000x128xf32>
    %get3A_20 = vector.shape_cast %get3A_19 : vector<1x2000x128xf32> to vector<2000x128xf32>
    %get3A_21 = arith.constant 1 : index
    %get3A_22 = arith.constant 0 : index
    %get3A_23 = arith.constant 0 : index
    %get3A_24 = vector.load %arg2[%get3A_21, %get3A_22, %get3A_23] : memref<2x2000x128xf32, #tpu.memory_space<vmem>>, vector<1x2000x128xf32>
    %get3A_25 = vector.shape_cast %get3A_24 : vector<1x2000x128xf32> to vector<2000x128xf32>
    %add3A_26 = arith.addf %get3A_20, %get3A_25 : vector<2000x128xf32>
    %mul3A = vector.broadcast %rsqrt3A : vector<2000x1xf32> to vector<2000x128xf32>
    %mul3A_27 = arith.mulf %mul3A, %add3A_26 : vector<2000x128xf32>
    %mul3A_28 = arith.mulf %rsqrt3A, %rsqrt3A : vector<2000x1xf32>
    %get3A_29 = arith.constant 0 : index
    %get3A_30 = arith.constant 0 : index
    %get3A_31 = vector.load %arg3[%get3A_29, %get3A_30] : memref<2000x128xf32, #tpu.memory_space<vmem>>, vector<2000x128xf32>
    %mul3A_32 = vector.broadcast %mul3A_28 : vector<2000x1xf32> to vector<2000x128xf32>
    %mul3A_33 = arith.mulf %mul3A_32, %get3A_31 : vector<2000x128xf32>
    %add3A_34 = arith.addf %mul3A_27, %mul3A_33 : vector<2000x128xf32>
    %mul3A_35 = arith.constant 0.899999976 : f32
    %mul3A_36 = vector.broadcast %mul3A_35 : f32 to vector<2000x128xf32>
    %mul3A_37 = arith.mulf %mul3A_36, %add3A_34 : vector<2000x128xf32>
    %get3A_38 = arith.constant 0 : index
    %get3A_39 = arith.constant 0 : index
    %get3A_40 = vector.load %arg4[%get3A_38, %get3A_39] : memref<2000x128xf32, #tpu.memory_space<vmem>>, vector<2000x128xf32>
    %mul3A_41 = arith.constant 1.000000e-01 : f32
    %mul3A_42 = vector.broadcast %mul3A_41 : f32 to vector<2000x128xf32>
    %mul3A_43 = arith.mulf %mul3A_42, %get3A_40 : vector<2000x128xf32>
    %add3A_44 = arith.addf %mul3A_37, %mul3A_43 : vector<2000x128xf32>
    %get3A_45 = arith.constant 0 : index
    %get3A_46 = arith.constant 0 : index
    %get3A_47 = vector.load %arg5[%get3A_45, %get3A_46] : memref<128x128xf32, #tpu.memory_space<vmem>>, vector<128x128xf32>
    %dot_general3A = arith.constant dense<0.000000e+00> : vector<2000x128xf32>
    %dot_general3A_48 = tpu.matmul %add3A_44, %get3A_47, %dot_general3A {dimension_numbers = #tpu.dot_dimension_numbers<[1], [0], [0], [1], [0, 0, 1, 1], [], []>, transpose_lhs_hint = false} : vector<2000x128xf32>, vector<128x128xf32>, vector<2000x128xf32> -> vector<2000x128xf32>
    %mul3A_49 = arith.constant 0.776856422 : f32
    %mul3A_50 = vector.broadcast %mul3A_49 : f32 to vector<2000x128xf32>
    %mul3A_51 = arith.mulf %mul3A_50, %add3A_44 : vector<2000x128xf32>
    %mul3A_52 = arith.constant 0.223143548 : f32
    %mul3A_53 = vector.broadcast %mul3A_52 : f32 to vector<2000x128xf32>
    %mul3A_54 = arith.mulf %mul3A_53, %dot_general3A_48 : vector<2000x128xf32>
    %add3A_55 = arith.addf %mul3A_51, %mul3A_54 : vector<2000x128xf32>
    %max3A = arith.constant 0.000000e+00 : f32
    %max3A_56 = vector.broadcast %max3A : f32 to vector<2000x128xf32>
    %max3A_57 = arith.maximumf %add3A_55, %max3A_56 : vector<2000x128xf32>
    %swap3A = arith.constant 0 : index
    %swap3A_58 = arith.constant 0 : index
    %swap3A_59 = vector.load %arg6[%swap3A, %swap3A_58] : memref<2000x128xf32, #tpu.memory_space<vmem>>, vector<2000x128xf32>
    tpu.vector_store %arg6[%swap3A, %swap3A_58], %max3A_57 {strides = array<i32>} : memref<2000x128xf32, #tpu.memory_space<vmem>>, vector<2000x128xf32>,
    %mul3A_60 = vector.broadcast %rsqrt3A : vector<2000x1xf32> to vector<2000x128xf32>
    %mul3A_61 = arith.mulf %mul3A_60, %max3A_57 : vector<2000x128xf32>
    %swap3A_62 = arith.constant 0 : index
    %swap3A_63 = arith.constant 0 : index
    %swap3A_64 = vector.load %arg7[%swap3A_62, %swap3A_63] : memref<2000x128xf32, #tpu.memory_space<vmem>>, vector<2000x128xf32>
    tpu.vector_store %arg7[%swap3A_62, %swap3A_63], %mul3A_61 {strides = array<i32>} : memref<2000x128xf32, #tpu.memory_space<vmem>>, vector<2000x128xf32>,
    return
  }
  func.func @transform_0(%arg0: i32) -> (i32, i32, i32) {
    %c0_i32 = arith.constant 0 : i32
    %c0_i32_0 = arith.constant 0 : i32
    %c0_i32_1 = arith.constant 0 : i32
    return %c0_i32, %arg0, %c0_i32_0 : i32, i32, i32
  }
  func.func @transform_1(%arg0: i32) -> (i32, i32, i32) {
    %c0_i32 = arith.constant 0 : i32
    %c0_i32_0 = arith.constant 0 : i32
    %c0_i32_1 = arith.constant 0 : i32
    return %c0_i32, %arg0, %c0_i32_0 : i32, i32, i32
  }
  func.func @transform_2(%arg0: i32) -> (i32, i32) {
    %c0_i32 = arith.constant 0 : i32
    %c0_i32_0 = arith.constant 0 : i32
    return %arg0, %c0_i32 : i32, i32
  }
  func.func @transform_3(%arg0: i32) -> (i32, i32) {
    %c0_i32 = arith.constant 0 : i32
    %c0_i32_0 = arith.constant 0 : i32
    return %arg0, %c0_i32 : i32, i32
  }
  func.func @transform_4(%arg0: i32) -> (i32, i32) {
    %c0_i32 = arith.constant 0 : i32
    %c0_i32_0 = arith.constant 0 : i32
    %c0_i32_1 = arith.constant 0 : i32
    return %c0_i32, %c0_i32_0 : i32, i32
  }
  func.func @transform_5(%arg0: i32) -> (i32, i32) {
    %c0_i32 = arith.constant 0 : i32
    %c0_i32_0 = arith.constant 0 : i32
    return %arg0, %c0_i32 : i32, i32
  }
  func.func @transform_6(%arg0: i32) -> (i32, i32) {
    %c0_i32 = arith.constant 0 : i32
    %c0_i32_0 = arith.constant 0 : i32
    return %arg0, %c0_i32 : i32, i32
  }
}

module attributes {stable_mosaic.version = 14 : i64} {
  func.func @_layer_body(%arg0: i32, %arg1: memref<2x2000x16xf32, #tpu.memory_space<vmem>>, %arg2: memref<2x2000x128xf32, #tpu.memory_space<vmem>>, %arg3: memref<2000x128xf32, #tpu.memory_space<vmem>>, %arg4: memref<2000x128xf32, #tpu.memory_space<vmem>>, %arg5: memref<128x128xf32, #tpu.memory_space<vmem>>, %arg6: memref<2000x128xf32, #tpu.memory_space<vmem>>, %arg7: memref<2000x128xf32, #tpu.memory_space<vmem>>) attributes {dimension_semantics = [#tpu.dimension_semantics<arbitrary>], iteration_bounds = array<i64: 5>, scalar_prefetch = 0 : i64, scratch_operands = 0 : i64, tpu.core_type = #tpu.core_type<tc>, window_params = [{transform_indices = @transform_0, window_bounds = array<i64: 2, 2000, 16>}, {transform_indices = @transform_1, window_bounds = array<i64: 2, 2000, 128>}, {transform_indices = @transform_2, window_bounds = array<i64: 2000, 128>}, {transform_indices = @transform_3, window_bounds = array<i64: 2000, 128>}, {pipeline_mode = #tpu.pipeline_mode<synchronous>, transform_indices = @transform_4, window_bounds = array<i64: 128, 128>}, {transform_indices = @transform_5, window_bounds = array<i64: 2000, 128>}, {transform_indices = @transform_6, window_bounds = array<i64: 2000, 128>}]} {
    %get3A = arith.constant 0 : index
    %get3A_0 = arith.constant 0 : index
    %get3A_1 = arith.constant 0 : index
    %get3A_2 = vector.load %arg1[%get3A, %get3A_0, %get3A_1] : memref<2x2000x16xf32, #tpu.memory_space<vmem>>, vector<1x2000x16xf32>
    %get3A_3 = vector.shape_cast %get3A_2 : vector<1x2000x16xf32> to vector<2000x16xf32>
    %reduce_sum3A = arith.constant dense<0.000000e+00> : vector<2000xf32>
    %reduce_sum3A_4 = vector.multi_reduction <add>, %get3A_3, %reduce_sum3A [1] : vector<2000x16xf32> to vector<2000xf32>
    %broadcast_in_dim3A = vector.shape_cast %reduce_sum3A_4 : vector<2000xf32> to vector<2000x1xf32>
    %get3A_5 = arith.constant 1 : index
    %get3A_6 = arith.constant 0 : index
    %get3A_7 = arith.constant 0 : index
    %get3A_8 = vector.load %arg1[%get3A_5, %get3A_6, %get3A_7] : memref<2x2000x16xf32, #tpu.memory_space<vmem>>, vector<1x2000x16xf32>
    %get3A_9 = vector.shape_cast %get3A_8 : vector<1x2000x16xf32> to vector<2000x16xf32>
    %reduce_sum3A_10 = arith.constant dense<0.000000e+00> : vector<2000xf32>
    %reduce_sum3A_11 = vector.multi_reduction <add>, %get3A_9, %reduce_sum3A_10 [1] : vector<2000x16xf32> to vector<2000xf32>
    %broadcast_in_dim3A_12 = vector.shape_cast %reduce_sum3A_11 : vector<2000xf32> to vector<2000x1xf32>
    %add3A = arith.addf %broadcast_in_dim3A, %broadcast_in_dim3A_12 : vector<2000x1xf32>
    %add3A_13 = arith.constant 1.000000e+00 : f32
    %add3A_14 = vector.broadcast %add3A_13 : f32 to vector<2000x1xf32>
    %add3A_15 = arith.addf %add3A, %add3A_14 : vector<2000x1xf32>
    %rsqrt3A = math.rsqrt %add3A_15 : vector<2000x1xf32>
    %get3A_16 = arith.constant 0 : index
    %get3A_17 = arith.constant 0 : index
    %get3A_18 = arith.constant 0 : index
    %get3A_19 = vector.load %arg2[%get3A_16, %get3A_17, %get3A_18] : memref<2x2000x128xf32, #tpu.memory_space<vmem>>, vector<1x2000x128xf32>
    %get3A_20 = vector.shape_cast %get3A_19 : vector<1x2000x128xf32> to vector<2000x128xf32>
    %get3A_21 = arith.constant 1 : index
    %get3A_22 = arith.constant 0 : index
    %get3A_23 = arith.constant 0 : index
    %get3A_24 = vector.load %arg2[%get3A_21, %get3A_22, %get3A_23] : memref<2x2000x128xf32, #tpu.memory_space<vmem>>, vector<1x2000x128xf32>
    %get3A_25 = vector.shape_cast %get3A_24 : vector<1x2000x128xf32> to vector<2000x128xf32>
    %add3A_26 = arith.addf %get3A_20, %get3A_25 : vector<2000x128xf32>
    %mul3A = vector.broadcast %rsqrt3A : vector<2000x1xf32> to vector<2000x128xf32>
    %mul3A_27 = arith.mulf %mul3A, %add3A_26 : vector<2000x128xf32>
    %mul3A_28 = arith.mulf %rsqrt3A, %rsqrt3A : vector<2000x1xf32>
    %get3A_29 = arith.constant 0 : index
    %get3A_30 = arith.constant 0 : index
    %get3A_31 = vector.load %arg3[%get3A_29, %get3A_30] : memref<2000x128xf32, #tpu.memory_space<vmem>>, vector<2000x128xf32>
    %mul3A_32 = vector.broadcast %mul3A_28 : vector<2000x1xf32> to vector<2000x128xf32>
    %mul3A_33 = arith.mulf %mul3A_32, %get3A_31 : vector<2000x128xf32>
    %add3A_34 = arith.addf %mul3A_27, %mul3A_33 : vector<2000x128xf32>
    %mul3A_35 = arith.constant 0.899999976 : f32
    %mul3A_36 = vector.broadcast %mul3A_35 : f32 to vector<2000x128xf32>
    %mul3A_37 = arith.mulf %mul3A_36, %add3A_34 : vector<2000x128xf32>
    %get3A_38 = arith.constant 0 : index
    %get3A_39 = arith.constant 0 : index
    %get3A_40 = vector.load %arg4[%get3A_38, %get3A_39] : memref<2000x128xf32, #tpu.memory_space<vmem>>, vector<2000x128xf32>
    %mul3A_41 = arith.constant 1.000000e-01 : f32
    %mul3A_42 = vector.broadcast %mul3A_41 : f32 to vector<2000x128xf32>
    %mul3A_43 = arith.mulf %mul3A_42, %get3A_40 : vector<2000x128xf32>
    %add3A_44 = arith.addf %mul3A_37, %mul3A_43 : vector<2000x128xf32>
    %get3A_45 = arith.constant 0 : index
    %get3A_46 = arith.constant 0 : index
    %get3A_47 = vector.load %arg5[%get3A_45, %get3A_46] : memref<128x128xf32, #tpu.memory_space<vmem>>, vector<128x128xf32>
    %dot_general3A = arith.constant dense<0.000000e+00> : vector<2000x128xf32>
    %dot_general3A_48 = tpu.matmul %add3A_44, %get3A_47, %dot_general3A {dimension_numbers = #tpu.dot_dimension_numbers<[1], [0], [0], [1], [0, 0, 1, 1], [], []>, transpose_lhs_hint = false} : vector<2000x128xf32>, vector<128x128xf32>, vector<2000x128xf32> -> vector<2000x128xf32>
    %mul3A_49 = arith.constant 0.594534874 : f32
    %mul3A_50 = vector.broadcast %mul3A_49 : f32 to vector<2000x128xf32>
    %mul3A_51 = arith.mulf %mul3A_50, %add3A_44 : vector<2000x128xf32>
    %mul3A_52 = arith.constant 0.405465096 : f32
    %mul3A_53 = vector.broadcast %mul3A_52 : f32 to vector<2000x128xf32>
    %mul3A_54 = arith.mulf %mul3A_53, %dot_general3A_48 : vector<2000x128xf32>
    %add3A_55 = arith.addf %mul3A_51, %mul3A_54 : vector<2000x128xf32>
    %max3A = arith.constant 0.000000e+00 : f32
    %max3A_56 = vector.broadcast %max3A : f32 to vector<2000x128xf32>
    %max3A_57 = arith.maximumf %add3A_55, %max3A_56 : vector<2000x128xf32>
    %swap3A = arith.constant 0 : index
    %swap3A_58 = arith.constant 0 : index
    %swap3A_59 = vector.load %arg6[%swap3A, %swap3A_58] : memref<2000x128xf32, #tpu.memory_space<vmem>>, vector<2000x128xf32>
    tpu.vector_store %arg6[%swap3A, %swap3A_58], %max3A_57 {strides = array<i32>} : memref<2000x128xf32, #tpu.memory_space<vmem>>, vector<2000x128xf32>,
    %mul3A_60 = vector.broadcast %rsqrt3A : vector<2000x1xf32> to vector<2000x128xf32>
    %mul3A_61 = arith.mulf %mul3A_60, %max3A_57 : vector<2000x128xf32>
    %swap3A_62 = arith.constant 0 : index
    %swap3A_63 = arith.constant 0 : index
    %swap3A_64 = vector.load %arg7[%swap3A_62, %swap3A_63] : memref<2000x128xf32, #tpu.memory_space<vmem>>, vector<2000x128xf32>
    tpu.vector_store %arg7[%swap3A_62, %swap3A_63], %mul3A_61 {strides = array<i32>} : memref<2000x128xf32, #tpu.memory_space<vmem>>, vector<2000x128xf32>,
    return
  }
  func.func @transform_0(%arg0: i32) -> (i32, i32, i32) {
    %c0_i32 = arith.constant 0 : i32
    %c0_i32_0 = arith.constant 0 : i32
    %c0_i32_1 = arith.constant 0 : i32
    return %c0_i32, %arg0, %c0_i32_0 : i32, i32, i32
  }
  func.func @transform_1(%arg0: i32) -> (i32, i32, i32) {
    %c0_i32 = arith.constant 0 : i32
    %c0_i32_0 = arith.constant 0 : i32
    %c0_i32_1 = arith.constant 0 : i32
    return %c0_i32, %arg0, %c0_i32_0 : i32, i32, i32
  }
  func.func @transform_2(%arg0: i32) -> (i32, i32) {
    %c0_i32 = arith.constant 0 : i32
    %c0_i32_0 = arith.constant 0 : i32
    return %arg0, %c0_i32 : i32, i32
  }
  func.func @transform_3(%arg0: i32) -> (i32, i32) {
    %c0_i32 = arith.constant 0 : i32
    %c0_i32_0 = arith.constant 0 : i32
    return %arg0, %c0_i32 : i32, i32
  }
  func.func @transform_4(%arg0: i32) -> (i32, i32) {
    %c0_i32 = arith.constant 0 : i32
    %c0_i32_0 = arith.constant 0 : i32
    %c0_i32_1 = arith.constant 0 : i32
    return %c0_i32, %c0_i32_0 : i32, i32
  }
  func.func @transform_5(%arg0: i32) -> (i32, i32) {
    %c0_i32 = arith.constant 0 : i32
    %c0_i32_0 = arith.constant 0 : i32
    return %arg0, %c0_i32 : i32, i32
  }
  func.func @transform_6(%arg0: i32) -> (i32, i32) {
    %c0_i32 = arith.constant 0 : i32
    %c0_i32_0 = arith.constant 0 : i32
    return %arg0, %c0_i32 : i32, i32
  }
}

module attributes {stable_mosaic.version = 14 : i64} {
  func.func @_layer_body(%arg0: i32, %arg1: memref<2x2000x16xf32, #tpu.memory_space<vmem>>, %arg2: memref<2x2000x128xf32, #tpu.memory_space<vmem>>, %arg3: memref<2000x128xf32, #tpu.memory_space<vmem>>, %arg4: memref<2000x128xf32, #tpu.memory_space<vmem>>, %arg5: memref<128x128xf32, #tpu.memory_space<vmem>>, %arg6: memref<2000x128xf32, #tpu.memory_space<vmem>>, %arg7: memref<2000x128xf32, #tpu.memory_space<vmem>>) attributes {dimension_semantics = [#tpu.dimension_semantics<arbitrary>], iteration_bounds = array<i64: 5>, scalar_prefetch = 0 : i64, scratch_operands = 0 : i64, tpu.core_type = #tpu.core_type<tc>, window_params = [{transform_indices = @transform_0, window_bounds = array<i64: 2, 2000, 16>}, {transform_indices = @transform_1, window_bounds = array<i64: 2, 2000, 128>}, {transform_indices = @transform_2, window_bounds = array<i64: 2000, 128>}, {transform_indices = @transform_3, window_bounds = array<i64: 2000, 128>}, {pipeline_mode = #tpu.pipeline_mode<synchronous>, transform_indices = @transform_4, window_bounds = array<i64: 128, 128>}, {transform_indices = @transform_5, window_bounds = array<i64: 2000, 128>}, {transform_indices = @transform_6, window_bounds = array<i64: 2000, 128>}]} {
    %get3A = arith.constant 0 : index
    %get3A_0 = arith.constant 0 : index
    %get3A_1 = arith.constant 0 : index
    %get3A_2 = vector.load %arg1[%get3A, %get3A_0, %get3A_1] : memref<2x2000x16xf32, #tpu.memory_space<vmem>>, vector<1x2000x16xf32>
    %get3A_3 = vector.shape_cast %get3A_2 : vector<1x2000x16xf32> to vector<2000x16xf32>
    %reduce_sum3A = arith.constant dense<0.000000e+00> : vector<2000xf32>
    %reduce_sum3A_4 = vector.multi_reduction <add>, %get3A_3, %reduce_sum3A [1] : vector<2000x16xf32> to vector<2000xf32>
    %broadcast_in_dim3A = vector.shape_cast %reduce_sum3A_4 : vector<2000xf32> to vector<2000x1xf32>
    %get3A_5 = arith.constant 1 : index
    %get3A_6 = arith.constant 0 : index
    %get3A_7 = arith.constant 0 : index
    %get3A_8 = vector.load %arg1[%get3A_5, %get3A_6, %get3A_7] : memref<2x2000x16xf32, #tpu.memory_space<vmem>>, vector<1x2000x16xf32>
    %get3A_9 = vector.shape_cast %get3A_8 : vector<1x2000x16xf32> to vector<2000x16xf32>
    %reduce_sum3A_10 = arith.constant dense<0.000000e+00> : vector<2000xf32>
    %reduce_sum3A_11 = vector.multi_reduction <add>, %get3A_9, %reduce_sum3A_10 [1] : vector<2000x16xf32> to vector<2000xf32>
    %broadcast_in_dim3A_12 = vector.shape_cast %reduce_sum3A_11 : vector<2000xf32> to vector<2000x1xf32>
    %add3A = arith.addf %broadcast_in_dim3A, %broadcast_in_dim3A_12 : vector<2000x1xf32>
    %add3A_13 = arith.constant 1.000000e+00 : f32
    %add3A_14 = vector.broadcast %add3A_13 : f32 to vector<2000x1xf32>
    %add3A_15 = arith.addf %add3A, %add3A_14 : vector<2000x1xf32>
    %rsqrt3A = math.rsqrt %add3A_15 : vector<2000x1xf32>
    %get3A_16 = arith.constant 0 : index
    %get3A_17 = arith.constant 0 : index
    %get3A_18 = arith.constant 0 : index
    %get3A_19 = vector.load %arg2[%get3A_16, %get3A_17, %get3A_18] : memref<2x2000x128xf32, #tpu.memory_space<vmem>>, vector<1x2000x128xf32>
    %get3A_20 = vector.shape_cast %get3A_19 : vector<1x2000x128xf32> to vector<2000x128xf32>
    %get3A_21 = arith.constant 1 : index
    %get3A_22 = arith.constant 0 : index
    %get3A_23 = arith.constant 0 : index
    %get3A_24 = vector.load %arg2[%get3A_21, %get3A_22, %get3A_23] : memref<2x2000x128xf32, #tpu.memory_space<vmem>>, vector<1x2000x128xf32>
    %get3A_25 = vector.shape_cast %get3A_24 : vector<1x2000x128xf32> to vector<2000x128xf32>
    %add3A_26 = arith.addf %get3A_20, %get3A_25 : vector<2000x128xf32>
    %mul3A = vector.broadcast %rsqrt3A : vector<2000x1xf32> to vector<2000x128xf32>
    %mul3A_27 = arith.mulf %mul3A, %add3A_26 : vector<2000x128xf32>
    %mul3A_28 = arith.mulf %rsqrt3A, %rsqrt3A : vector<2000x1xf32>
    %get3A_29 = arith.constant 0 : index
    %get3A_30 = arith.constant 0 : index
    %get3A_31 = vector.load %arg3[%get3A_29, %get3A_30] : memref<2000x128xf32, #tpu.memory_space<vmem>>, vector<2000x128xf32>
    %mul3A_32 = vector.broadcast %mul3A_28 : vector<2000x1xf32> to vector<2000x128xf32>
    %mul3A_33 = arith.mulf %mul3A_32, %get3A_31 : vector<2000x128xf32>
    %add3A_34 = arith.addf %mul3A_27, %mul3A_33 : vector<2000x128xf32>
    %mul3A_35 = arith.constant 0.899999976 : f32
    %mul3A_36 = vector.broadcast %mul3A_35 : f32 to vector<2000x128xf32>
    %mul3A_37 = arith.mulf %mul3A_36, %add3A_34 : vector<2000x128xf32>
    %get3A_38 = arith.constant 0 : index
    %get3A_39 = arith.constant 0 : index
    %get3A_40 = vector.load %arg4[%get3A_38, %get3A_39] : memref<2000x128xf32, #tpu.memory_space<vmem>>, vector<2000x128xf32>
    %mul3A_41 = arith.constant 1.000000e-01 : f32
    %mul3A_42 = vector.broadcast %mul3A_41 : f32 to vector<2000x128xf32>
    %mul3A_43 = arith.mulf %mul3A_42, %get3A_40 : vector<2000x128xf32>
    %add3A_44 = arith.addf %mul3A_37, %mul3A_43 : vector<2000x128xf32>
    %get3A_45 = arith.constant 0 : index
    %get3A_46 = arith.constant 0 : index
    %get3A_47 = vector.load %arg5[%get3A_45, %get3A_46] : memref<128x128xf32, #tpu.memory_space<vmem>>, vector<128x128xf32>
    %dot_general3A = arith.constant dense<0.000000e+00> : vector<2000x128xf32>
    %dot_general3A_48 = tpu.matmul %add3A_44, %get3A_47, %dot_general3A {dimension_numbers = #tpu.dot_dimension_numbers<[1], [0], [0], [1], [0, 0, 1, 1], [], []>, transpose_lhs_hint = false} : vector<2000x128xf32>, vector<128x128xf32>, vector<2000x128xf32> -> vector<2000x128xf32>
    %mul3A_49 = arith.constant 0.845849335 : f32
    %mul3A_50 = vector.broadcast %mul3A_49 : f32 to vector<2000x128xf32>
    %mul3A_51 = arith.mulf %mul3A_50, %add3A_44 : vector<2000x128xf32>
    %mul3A_52 = arith.constant 0.15415068 : f32
    %mul3A_53 = vector.broadcast %mul3A_52 : f32 to vector<2000x128xf32>
    %mul3A_54 = arith.mulf %mul3A_53, %dot_general3A_48 : vector<2000x128xf32>
    %add3A_55 = arith.addf %mul3A_51, %mul3A_54 : vector<2000x128xf32>
    %max3A = arith.constant 0.000000e+00 : f32
    %max3A_56 = vector.broadcast %max3A : f32 to vector<2000x128xf32>
    %max3A_57 = arith.maximumf %add3A_55, %max3A_56 : vector<2000x128xf32>
    %swap3A = arith.constant 0 : index
    %swap3A_58 = arith.constant 0 : index
    %swap3A_59 = vector.load %arg6[%swap3A, %swap3A_58] : memref<2000x128xf32, #tpu.memory_space<vmem>>, vector<2000x128xf32>
    tpu.vector_store %arg6[%swap3A, %swap3A_58], %max3A_57 {strides = array<i32>} : memref<2000x128xf32, #tpu.memory_space<vmem>>, vector<2000x128xf32>,
    %mul3A_60 = vector.broadcast %rsqrt3A : vector<2000x1xf32> to vector<2000x128xf32>
    %mul3A_61 = arith.mulf %mul3A_60, %max3A_57 : vector<2000x128xf32>
    %swap3A_62 = arith.constant 0 : index
    %swap3A_63 = arith.constant 0 : index
    %swap3A_64 = vector.load %arg7[%swap3A_62, %swap3A_63] : memref<2000x128xf32, #tpu.memory_space<vmem>>, vector<2000x128xf32>
    tpu.vector_store %arg7[%swap3A_62, %swap3A_63], %mul3A_61 {strides = array<i32>} : memref<2000x128xf32, #tpu.memory_space<vmem>>, vector<2000x128xf32>,
    return
  }
  func.func @transform_0(%arg0: i32) -> (i32, i32, i32) {
    %c0_i32 = arith.constant 0 : i32
    %c0_i32_0 = arith.constant 0 : i32
    %c0_i32_1 = arith.constant 0 : i32
    return %c0_i32, %arg0, %c0_i32_0 : i32, i32, i32
  }
  func.func @transform_1(%arg0: i32) -> (i32, i32, i32) {
    %c0_i32 = arith.constant 0 : i32
    %c0_i32_0 = arith.constant 0 : i32
    %c0_i32_1 = arith.constant 0 : i32
    return %c0_i32, %arg0, %c0_i32_0 : i32, i32, i32
  }
  func.func @transform_2(%arg0: i32) -> (i32, i32) {
    %c0_i32 = arith.constant 0 : i32
    %c0_i32_0 = arith.constant 0 : i32
    return %arg0, %c0_i32 : i32, i32
  }
  func.func @transform_3(%arg0: i32) -> (i32, i32) {
    %c0_i32 = arith.constant 0 : i32
    %c0_i32_0 = arith.constant 0 : i32
    return %arg0, %c0_i32 : i32, i32
  }
  func.func @transform_4(%arg0: i32) -> (i32, i32) {
    %c0_i32 = arith.constant 0 : i32
    %c0_i32_0 = arith.constant 0 : i32
    %c0_i32_1 = arith.constant 0 : i32
    return %c0_i32, %c0_i32_0 : i32, i32
  }
  func.func @transform_5(%arg0: i32) -> (i32, i32) {
    %c0_i32 = arith.constant 0 : i32
    %c0_i32_0 = arith.constant 0 : i32
    return %arg0, %c0_i32 : i32, i32
  }
  func.func @transform_6(%arg0: i32) -> (i32, i32) {
    %c0_i32 = arith.constant 0 : i32
    %c0_i32_0 = arith.constant 0 : i32
    return %arg0, %c0_i32 : i32, i32
  }
}

module attributes {stable_mosaic.version = 14 : i64} {
  func.func @_layer_body(%arg0: i32, %arg1: memref<2x2000x16xf32, #tpu.memory_space<vmem>>, %arg2: memref<2x2000x128xf32, #tpu.memory_space<vmem>>, %arg3: memref<2000x128xf32, #tpu.memory_space<vmem>>, %arg4: memref<2000x128xf32, #tpu.memory_space<vmem>>, %arg5: memref<128x128xf32, #tpu.memory_space<vmem>>, %arg6: memref<2000x128xf32, #tpu.memory_space<vmem>>, %arg7: memref<2000x128xf32, #tpu.memory_space<vmem>>) attributes {dimension_semantics = [#tpu.dimension_semantics<arbitrary>], iteration_bounds = array<i64: 5>, scalar_prefetch = 0 : i64, scratch_operands = 0 : i64, tpu.core_type = #tpu.core_type<tc>, window_params = [{transform_indices = @transform_0, window_bounds = array<i64: 2, 2000, 16>}, {transform_indices = @transform_1, window_bounds = array<i64: 2, 2000, 128>}, {transform_indices = @transform_2, window_bounds = array<i64: 2000, 128>}, {transform_indices = @transform_3, window_bounds = array<i64: 2000, 128>}, {pipeline_mode = #tpu.pipeline_mode<synchronous>, transform_indices = @transform_4, window_bounds = array<i64: 128, 128>}, {transform_indices = @transform_5, window_bounds = array<i64: 2000, 128>}, {transform_indices = @transform_6, window_bounds = array<i64: 2000, 128>}]} {
    %get3A = arith.constant 0 : index
    %get3A_0 = arith.constant 0 : index
    %get3A_1 = arith.constant 0 : index
    %get3A_2 = vector.load %arg1[%get3A, %get3A_0, %get3A_1] : memref<2x2000x16xf32, #tpu.memory_space<vmem>>, vector<1x2000x16xf32>
    %get3A_3 = vector.shape_cast %get3A_2 : vector<1x2000x16xf32> to vector<2000x16xf32>
    %reduce_sum3A = arith.constant dense<0.000000e+00> : vector<2000xf32>
    %reduce_sum3A_4 = vector.multi_reduction <add>, %get3A_3, %reduce_sum3A [1] : vector<2000x16xf32> to vector<2000xf32>
    %broadcast_in_dim3A = vector.shape_cast %reduce_sum3A_4 : vector<2000xf32> to vector<2000x1xf32>
    %get3A_5 = arith.constant 1 : index
    %get3A_6 = arith.constant 0 : index
    %get3A_7 = arith.constant 0 : index
    %get3A_8 = vector.load %arg1[%get3A_5, %get3A_6, %get3A_7] : memref<2x2000x16xf32, #tpu.memory_space<vmem>>, vector<1x2000x16xf32>
    %get3A_9 = vector.shape_cast %get3A_8 : vector<1x2000x16xf32> to vector<2000x16xf32>
    %reduce_sum3A_10 = arith.constant dense<0.000000e+00> : vector<2000xf32>
    %reduce_sum3A_11 = vector.multi_reduction <add>, %get3A_9, %reduce_sum3A_10 [1] : vector<2000x16xf32> to vector<2000xf32>
    %broadcast_in_dim3A_12 = vector.shape_cast %reduce_sum3A_11 : vector<2000xf32> to vector<2000x1xf32>
    %add3A = arith.addf %broadcast_in_dim3A, %broadcast_in_dim3A_12 : vector<2000x1xf32>
    %add3A_13 = arith.constant 1.000000e+00 : f32
    %add3A_14 = vector.broadcast %add3A_13 : f32 to vector<2000x1xf32>
    %add3A_15 = arith.addf %add3A, %add3A_14 : vector<2000x1xf32>
    %rsqrt3A = math.rsqrt %add3A_15 : vector<2000x1xf32>
    %get3A_16 = arith.constant 0 : index
    %get3A_17 = arith.constant 0 : index
    %get3A_18 = arith.constant 0 : index
    %get3A_19 = vector.load %arg2[%get3A_16, %get3A_17, %get3A_18] : memref<2x2000x128xf32, #tpu.memory_space<vmem>>, vector<1x2000x128xf32>
    %get3A_20 = vector.shape_cast %get3A_19 : vector<1x2000x128xf32> to vector<2000x128xf32>
    %get3A_21 = arith.constant 1 : index
    %get3A_22 = arith.constant 0 : index
    %get3A_23 = arith.constant 0 : index
    %get3A_24 = vector.load %arg2[%get3A_21, %get3A_22, %get3A_23] : memref<2x2000x128xf32, #tpu.memory_space<vmem>>, vector<1x2000x128xf32>
    %get3A_25 = vector.shape_cast %get3A_24 : vector<1x2000x128xf32> to vector<2000x128xf32>
    %add3A_26 = arith.addf %get3A_20, %get3A_25 : vector<2000x128xf32>
    %mul3A = vector.broadcast %rsqrt3A : vector<2000x1xf32> to vector<2000x128xf32>
    %mul3A_27 = arith.mulf %mul3A, %add3A_26 : vector<2000x128xf32>
    %mul3A_28 = arith.mulf %rsqrt3A, %rsqrt3A : vector<2000x1xf32>
    %get3A_29 = arith.constant 0 : index
    %get3A_30 = arith.constant 0 : index
    %get3A_31 = vector.load %arg3[%get3A_29, %get3A_30] : memref<2000x128xf32, #tpu.memory_space<vmem>>, vector<2000x128xf32>
    %mul3A_32 = vector.broadcast %mul3A_28 : vector<2000x1xf32> to vector<2000x128xf32>
    %mul3A_33 = arith.mulf %mul3A_32, %get3A_31 : vector<2000x128xf32>
    %add3A_34 = arith.addf %mul3A_27, %mul3A_33 : vector<2000x128xf32>
    %mul3A_35 = arith.constant 0.899999976 : f32
    %mul3A_36 = vector.broadcast %mul3A_35 : f32 to vector<2000x128xf32>
    %mul3A_37 = arith.mulf %mul3A_36, %add3A_34 : vector<2000x128xf32>
    %get3A_38 = arith.constant 0 : index
    %get3A_39 = arith.constant 0 : index
    %get3A_40 = vector.load %arg4[%get3A_38, %get3A_39] : memref<2000x128xf32, #tpu.memory_space<vmem>>, vector<2000x128xf32>
    %mul3A_41 = arith.constant 1.000000e-01 : f32
    %mul3A_42 = vector.broadcast %mul3A_41 : f32 to vector<2000x128xf32>
    %mul3A_43 = arith.mulf %mul3A_42, %get3A_40 : vector<2000x128xf32>
    %add3A_44 = arith.addf %mul3A_37, %mul3A_43 : vector<2000x128xf32>
    %get3A_45 = arith.constant 0 : index
    %get3A_46 = arith.constant 0 : index
    %get3A_47 = vector.load %arg5[%get3A_45, %get3A_46] : memref<128x128xf32, #tpu.memory_space<vmem>>, vector<128x128xf32>
    %dot_general3A = arith.constant dense<0.000000e+00> : vector<2000x128xf32>
    %dot_general3A_48 = tpu.matmul %add3A_44, %get3A_47, %dot_general3A {dimension_numbers = #tpu.dot_dimension_numbers<[1], [0], [0], [1], [0, 0, 1, 1], [], []>, transpose_lhs_hint = false} : vector<2000x128xf32>, vector<128x128xf32>, vector<2000x128xf32> -> vector<2000x128xf32>
    %mul3A_49 = arith.constant 0.882216989 : f32
    %mul3A_50 = vector.broadcast %mul3A_49 : f32 to vector<2000x128xf32>
    %mul3A_51 = arith.mulf %mul3A_50, %add3A_44 : vector<2000x128xf32>
    %mul3A_52 = arith.constant 0.117783032 : f32
    %mul3A_53 = vector.broadcast %mul3A_52 : f32 to vector<2000x128xf32>
    %mul3A_54 = arith.mulf %mul3A_53, %dot_general3A_48 : vector<2000x128xf32>
    %add3A_55 = arith.addf %mul3A_51, %mul3A_54 : vector<2000x128xf32>
    %max3A = arith.constant 0.000000e+00 : f32
    %max3A_56 = vector.broadcast %max3A : f32 to vector<2000x128xf32>
    %max3A_57 = arith.maximumf %add3A_55, %max3A_56 : vector<2000x128xf32>
    %swap3A = arith.constant 0 : index
    %swap3A_58 = arith.constant 0 : index
    %swap3A_59 = vector.load %arg6[%swap3A, %swap3A_58] : memref<2000x128xf32, #tpu.memory_space<vmem>>, vector<2000x128xf32>
    tpu.vector_store %arg6[%swap3A, %swap3A_58], %max3A_57 {strides = array<i32>} : memref<2000x128xf32, #tpu.memory_space<vmem>>, vector<2000x128xf32>,
    %mul3A_60 = vector.broadcast %rsqrt3A : vector<2000x1xf32> to vector<2000x128xf32>
    %mul3A_61 = arith.mulf %mul3A_60, %max3A_57 : vector<2000x128xf32>
    %swap3A_62 = arith.constant 0 : index
    %swap3A_63 = arith.constant 0 : index
    %swap3A_64 = vector.load %arg7[%swap3A_62, %swap3A_63] : memref<2000x128xf32, #tpu.memory_space<vmem>>, vector<2000x128xf32>
    tpu.vector_store %arg7[%swap3A_62, %swap3A_63], %mul3A_61 {strides = array<i32>} : memref<2000x128xf32, #tpu.memory_space<vmem>>, vector<2000x128xf32>,
    return
  }
  func.func @transform_0(%arg0: i32) -> (i32, i32, i32) {
    %c0_i32 = arith.constant 0 : i32
    %c0_i32_0 = arith.constant 0 : i32
    %c0_i32_1 = arith.constant 0 : i32
    return %c0_i32, %arg0, %c0_i32_0 : i32, i32, i32
  }
  func.func @transform_1(%arg0: i32) -> (i32, i32, i32) {
    %c0_i32 = arith.constant 0 : i32
    %c0_i32_0 = arith.constant 0 : i32
    %c0_i32_1 = arith.constant 0 : i32
    return %c0_i32, %arg0, %c0_i32_0 : i32, i32, i32
  }
  func.func @transform_2(%arg0: i32) -> (i32, i32) {
    %c0_i32 = arith.constant 0 : i32
    %c0_i32_0 = arith.constant 0 : i32
    return %arg0, %c0_i32 : i32, i32
  }
  func.func @transform_3(%arg0: i32) -> (i32, i32) {
    %c0_i32 = arith.constant 0 : i32
    %c0_i32_0 = arith.constant 0 : i32
    return %arg0, %c0_i32 : i32, i32
  }
  func.func @transform_4(%arg0: i32) -> (i32, i32) {
    %c0_i32 = arith.constant 0 : i32
    %c0_i32_0 = arith.constant 0 : i32
    %c0_i32_1 = arith.constant 0 : i32
    return %c0_i32, %c0_i32_0 : i32, i32
  }
  func.func @transform_5(%arg0: i32) -> (i32, i32) {
    %c0_i32 = arith.constant 0 : i32
    %c0_i32_0 = arith.constant 0 : i32
    return %arg0, %c0_i32 : i32, i32
  }
  func.func @transform_6(%arg0: i32) -> (i32, i32) {
    %c0_i32 = arith.constant 0 : i32
    %c0_i32_0 = arith.constant 0 : i32
    return %arg0, %c0_i32 : i32, i32
  }
}

module attributes {stable_mosaic.version = 14 : i64} {
  func.func @_fin_body(%arg0: i32, %arg1: memref<2000x128xf32, #tpu.memory_space<vmem>>, %arg2: memref<128x128xf32, #tpu.memory_space<vmem>>, %arg3: memref<1x128xf32, #tpu.memory_space<vmem>>, %arg4: memref<2000x128xf32, #tpu.memory_space<vmem>>) attributes {dimension_semantics = [#tpu.dimension_semantics<arbitrary>], iteration_bounds = array<i64: 5>, scalar_prefetch = 0 : i64, scratch_operands = 0 : i64, tpu.core_type = #tpu.core_type<tc>, window_params = [{transform_indices = @transform_0, window_bounds = array<i64: 2000, 128>}, {pipeline_mode = #tpu.pipeline_mode<synchronous>, transform_indices = @transform_1, window_bounds = array<i64: 128, 128>}, {pipeline_mode = #tpu.pipeline_mode<synchronous>, transform_indices = @transform_2, window_bounds = array<i64: 1, 128>}, {transform_indices = @transform_3, window_bounds = array<i64: 2000, 128>}]} {
    %get3A = arith.constant 0 : index
    %get3A_0 = arith.constant 0 : index
    %get3A_1 = vector.load %arg1[%get3A, %get3A_0] : memref<2000x128xf32, #tpu.memory_space<vmem>>, vector<2000x128xf32>
    %get3A_2 = arith.constant 0 : index
    %get3A_3 = arith.constant 0 : index
    %get3A_4 = vector.load %arg2[%get3A_2, %get3A_3] : memref<128x128xf32, #tpu.memory_space<vmem>>, vector<128x128xf32>
    %dot_general3A = arith.constant dense<0.000000e+00> : vector<2000x128xf32>
    %dot_general3A_5 = tpu.matmul %get3A_1, %get3A_4, %dot_general3A {dimension_numbers = #tpu.dot_dimension_numbers<[1], [0], [0], [1], [0, 0, 1, 1], [], []>, transpose_lhs_hint = false} : vector<2000x128xf32>, vector<128x128xf32>, vector<2000x128xf32> -> vector<2000x128xf32>
    %get3A_6 = arith.constant 0 : index
    %get3A_7 = arith.constant 0 : index
    %get3A_8 = vector.load %arg3[%get3A_6, %get3A_7] : memref<1x128xf32, #tpu.memory_space<vmem>>, vector<1x128xf32>
    %add3A = vector.broadcast %get3A_8 : vector<1x128xf32> to vector<2000x128xf32>
    %add3A_9 = arith.addf %dot_general3A_5, %add3A : vector<2000x128xf32>
    %swap3A = arith.constant 0 : index
    %swap3A_10 = arith.constant 0 : index
    %swap3A_11 = vector.load %arg4[%swap3A, %swap3A_10] : memref<2000x128xf32, #tpu.memory_space<vmem>>, vector<2000x128xf32>
    tpu.vector_store %arg4[%swap3A, %swap3A_10], %add3A_9 {strides = array<i32>} : memref<2000x128xf32, #tpu.memory_space<vmem>>, vector<2000x128xf32>,
    return
  }
  func.func @transform_0(%arg0: i32) -> (i32, i32) {
    %c0_i32 = arith.constant 0 : i32
    %c0_i32_0 = arith.constant 0 : i32
    return %arg0, %c0_i32 : i32, i32
  }
  func.func @transform_1(%arg0: i32) -> (i32, i32) {
    %c0_i32 = arith.constant 0 : i32
    %c0_i32_0 = arith.constant 0 : i32
    %c0_i32_1 = arith.constant 0 : i32
    return %c0_i32, %c0_i32_0 : i32, i32
  }
  func.func @transform_2(%arg0: i32) -> (i32, i32) {
    %c0_i32 = arith.constant 0 : i32
    %c0_i32_0 = arith.constant 0 : i32
    %c0_i32_1 = arith.constant 0 : i32
    return %c0_i32, %c0_i32_0 : i32, i32
  }
  func.func @transform_3(%arg0: i32) -> (i32, i32) {
    %c0_i32 = arith.constant 0 : i32
    %c0_i32_0 = arith.constant 0 : i32
    return %arg0, %c0_i32 : i32, i32
  }
}

</mosaic_0001>

<sc_bundles>
// kernel: kernel.13.cloned.1.call-start
scs
__scs_entry_jumppad:
0x0: {  	(pc) =	sbr.rel $0x88, $3  }
0x1: {  	(tag) =	ssettag $0x0;
	lr =	simm.s32 $0x1  }
0x2: {  	[smem:$0x3F9A] =	sst lr;
	_ =	strace $0xD0000000  }
0x3: {  	_ = 	snop  }
0x4: {  	_ = 	snop  }
0x5: {  	_ = 	snop  }
0x6: {  	_ = 	snop  }
0x7: {  	_ = 	snop  }
__scs_overlays_trampoline_lowered:
0x8: {  	[smem:$0x3FA9] =	sst s0  }
0x9: {  	[smem:$0x3FAA] =	sst s1  }
0xa: {  	[smem:$0x3FAB] =	sst s2  }
0xb: {  	[smem:$0x3FAC] =	sst s3  }
0xc: {  	[smem:$0x3FAD] =	sst s4  }
0xd: {  	[smem:$0x3FAE] =	sst s5  }
0xe: {  	[smem:$0x3FAF] =	sst s6  }
0xf: {  	[smem:$0x3FB0] =	sst s7  }
0x10: {  	[smem:$0x3FB1] =	sst s8  }
0x11: {  	[smem:$0x3FB2] =	sst s9;
	s0 =	simm.s32 @!p0 $0x0  }
0x12: {  	s1 =	sld [smem:$0x3F98];
	s0 =	simm.s32 @p0 $0x1  }
0x13: {  	[smem:$0x3FB3] =	sst s0;
	s0 =	simm.s32 @!p1 $0x0  }
0x14: {  	s2 =	sld [smem:$0x3F97];
	s0 =	simm.s32 @p1 $0x1  }
0x15: {  	[smem:$0x3FB4] =	sst s0;
	s0 =	simm.s32 @!p2 $0x0  }
0x16: {  	s3 =	sld [smem:$0x3FDB];
	s0 =	simm.s32 @p2 $0x1  }
0x17: {  	s4 =	simm.s32 $0x1BF5;
	[smem:$0x3FB6] =	sst s0  }
0x18: {  	s0 =	sld [smem:$0x3F99];
	_ =	swait.ge [sflag:s4], $0x0  }
0x19: {  	s7 =	sld [smem:$0x3F9A]  }
0x1a: {  	s8 =	sadd.s32 $0xFFFFE003, lr  }
0x1b: {  	s9 =	sadd.s32 $0xFFFFFEF7, lr;
	s5 =	simm.s32 $0xFFFFFFFF;
	p2 =	slt.u32 s8, $0xFFFFF086  }
0x1c: {  	p1 =	slt.u32 s9, $0xF7A;
	s5 =	simm.s32 @!p2 $0x0  }
0x1d: {  	s5 =	simm.s32 @p1 $0x1;
	p0 =	seq.s32 s7, s2  }
0x1e: {  	s7 =	smul.u32 @!p0 $0xF7A, s2;
	p2 =	seq.s32 @!p0 s5, $0x0  }
0x1f: {  	s9 =	smul.u32 $0xF7A, s1;
	s8 =	simm.s32 @!p0 $0x1BF5;
	p2 =	por !p2, p0  }
0x20: {  	[sflag:s8] =	ssyncset.s32 @!p0 $0xFFFFF086;
	s6 =	sadd.s32 @!p0 s3, s7;
	s7 =	simm.s32 @!p0 $0x108  }
0x21: {  	s3 =	sadd.s32 s3, s9;
	s6 =	sadd.s32 @!p0 $0x88, s6;
	s7 =	simm.s32 @p2 $0x1082  }
0x22: {  	[simem:s7], [sflag:s8] =	dma.local @!p0 [hbm:s6], $0xF7A  }
0x23: {  	s9 =	sor.u32 $0xD0000000, s2;
	s6 =	simm.s32 $0x108;
	_ =	swait.ge @!p0 [sflag:s8], $0x0  }
0x24: {  	s3 =	sadd.s32 $0x88, s3;
	s6 =	simm.s32 @!p1 $0x1082;
	[sflag:s4] =	ssyncset.s32 $0xFFFFF086  }
0x25: {  	[simem:s6], [sflag:s4] =	dma.local [hbm:s3], $0xF7A  }
0x26: {  	[smem:$0x3F9A] =	sst s1;
	(tag) =	ssettag s2;
	_ =	strace s9  }
0x27: {  	s1 =	sld [smem:$0x3FAA]  }
0x28: {  	s2 =	sld [smem:$0x3FAB]  }
0x29: {  	s4 =	sld [smem:$0x3FAD]  }
0x2a: {  	p0 =	seq.s32 s5, $0x0;
	s5 =	sld [smem:$0x3FAE]  }
0x2b: {  	s6 =	sld [smem:$0x3FAF]  }
0x2c: {  	s7 =	sld [smem:$0x3FB0]  }
0x2d: {  	s3 =	simm.s32 $0x108;
	s8 =	sld [smem:$0x3FB1]  }
0x2e: {  	s3 =	simm.s32 @!p0 $0x1082;
	s9 =	sld [smem:$0x3FB2]  }
0x2f: {  	lr =	sadd.s32 s0, s3;
	s0 =	sld [smem:$0x3FA9]  }
0x30: {  	s3 =	sld [smem:$0x3FAC]  }
0x31: {  	[smem:$0x3FB5] =	sst s10  }
0x32: {  	s10 =	sld [smem:$0x3FB3];
	_ =	sdelay $0x3  }
0x33: {  	p0 =	seq.s32 s10, $0x1;
	s10 =	sld [smem:$0x3FB5];
	_ =	sdelay $0x3  }
0x34: {  	[smem:$0x3FB5] =	sst s10  }
0x35: {  	s10 =	sld [smem:$0x3FB4];
	_ =	sdelay $0x3  }
0x36: {  	p1 =	seq.s32 s10, $0x1;
	s10 =	sld [smem:$0x3FB5];
	_ =	sdelay $0x3  }
0x37: {  	[smem:$0x3FB5] =	sst s10  }
0x38: {  	s10 =	sld [smem:$0x3FB6]  }
0x39: {  	_ = 	snop;
	(pc) =	sbr.ind lr, $3  }
0x3a: {  	_ = 	snop  }
0x3b: {  	_ = 	snop  }
0x3c: {  	p2 =	seq.s32 s10, $0x1;
	s10 =	sld [smem:$0x3FB5]  }
0x3d: {  	_ =	shalt  }
0x3e: {  	_ =	shalt  }
0x3f: {  	_ =	shalt  }
0x40: {  	_ =	shalt  }
0x41: {  	_ =	shalt  }
0x42: {  	_ =	shalt  }
0x43: {  	_ =	shalt  }
0x44: {  	_ =	shalt  }
0x45: {  	_ =	shalt  }
0x46: {  	_ =	shalt  }
0x47: {  	_ =	shalt  }
0x48: {  	_ =	shalt  }
0x49: {  	_ =	shalt  }
0x4a: {  	_ =	shalt  }
0x4b: {  	_ =	shalt  }
0x4c: {  	_ =	shalt  }
0x4d: {  	_ =	shalt  }
0x4e: {  	_ =	shalt  }
0x4f: {  	_ =	shalt  }
0x50: {  	_ =	shalt  }
0x51: {  	_ =	shalt  }
0x52: {  	_ =	shalt  }
0x53: {  	_ =	shalt  }
0x54: {  	_ =	shalt  }
0x55: {  	_ =	shalt  }
0x56: {  	_ =	shalt  }
0x57: {  	_ =	shalt  }
0x58: {  	_ =	shalt  }
0x59: {  	_ =	shalt  }
0x5a: {  	_ =	shalt  }
0x5b: {  	_ =	shalt  }
0x5c: {  	_ =	shalt  }
0x5d: {  	_ =	shalt  }
0x5e: {  	_ =	shalt  }
0x5f: {  	_ =	shalt  }
0x60: {  	_ =	shalt  }
0x61: {  	_ =	shalt  }
0x62: {  	_ =	shalt  }
0x63: {  	_ =	shalt  }
0x64: {  	_ =	shalt  }
0x65: {  	_ =	shalt  }
0x66: {  	_ =	shalt  }
0x67: {  	_ =	shalt  }
0x68: {  	_ =	shalt  }
0x69: {  	_ =	shalt  }
0x6a: {  	_ =	shalt  }
0x6b: {  	_ =	shalt  }
0x6c: {  	_ =	shalt  }
0x6d: {  	_ =	shalt  }
0x6e: {  	_ =	shalt  }
0x6f: {  	_ =	shalt  }
0x70: {  	_ =	shalt  }
0x71: {  	_ =	shalt  }
0x72: {  	_ =	shalt  }
0x73: {  	_ =	shalt  }
0x74: {  	_ =	shalt  }
0x75: {  	_ =	shalt  }
0x76: {  	_ =	shalt  }
0x77: {  	_ =	shalt  }
0x78: {  	_ =	shalt  }
0x79: {  	_ =	shalt  }
0x7a: {  	_ =	shalt  }
0x7b: {  	_ =	shalt  }
0x7c: {  	_ =	shalt  }
0x7d: {  	_ =	shalt  }
0x7e: {  	_ =	shalt  }
0x7f: {  	_ =	shalt  }
0x80: {  	_ =	shalt  }
0x81: {  	_ =	shalt  }
0x82: {  	_ =	shalt  }
0x83: {  	_ =	shalt  }
0x84: {  	_ =	shalt  }
0x85: {  	_ =	shalt  }
0x86: {  	_ =	shalt  }
0x87: {  	_ =	shalt  }
.Lfunc_end0:
.L_simem_size_0:
called_computation_lowered:
.L_overlay_start_0:
0x88: {  	s2 =	sld [smem:$0x3FD9]  }
0x89: {  	s3 =	sld [smem:$0x3FFE];
	_ =	sdelay $0x1  }
0x8a: {  	s1 =	srdreg.scid  }
0x8b: {  	s0 =	sand.u32 $0x1, s1  }
0x8c: {  	s17 =	sshll.u32 s0, $0xA;
	s2 =	sadd.s32 s3, s2  }
0x8d: {  	s2 =	sadd.s32 s2, s17  }
0x8e: {  	[smem:$0x3FC1] =	sst s2  }
0x8f: {  	_ = 	snop  }
0x90: {  	s2 =	sld [smem:$0x3FD0];
	(tm) =	ssettm $0x1  }
0x91: {  	s18 =	sld [smem:$0x3FFB];
	_ =	sdelay $0x3  }
0x92: {  	_ =	strace s18  }
0x93: {  	s3 =	sld [smem:$0x3FFC];
	_ =	sdelay $0x3  }
0x94: {  	_ =	strace s3  }
0x95: {  	s3 =	sld [smem:$0x3FFD];
	_ =	sdelay $0x3  }
0x96: {  	_ =	strace s3  }
0x97: {  	_ =	strace $0x8FFFFFFF  }
0x98: {  	s19 =	sld [smem:$0x3FDB];
	_ =	sdelay $0x1  }
0x99: {  	s4 =	simm.s32 $_scs_section_size  }
0x9a: {  	s5 =	simm.s32 $_size__tile_overlayer_lowered;
	s6 =	simm.s32 $_tile_overlayer_lowered  }
0x9b: {  	s22 =	simm.s32 $0x1BFF;
	s21 =	sshll.u32 s6, $0x1;
	s3 =	sadd.s32 s4, s19  }
0x9c: {  	s7 =	simm.s32 $0x0;
	s20 =	sshll.u32 s5, $0x1;
	s5 =	sadd.s32 s21, s3  }
0x9d: {  	[timem:s7], [sflag:s22] =	dma.local [hbm:s5], s20  }
0x9e: {  	_ =	swait.ge [sflag:s22], s20  }
0x9f: {  	s4 =	ssub.s32 $0x0, s20;
	[sflag:s22] =	ssyncset.done $0x0  }
0xa0: {  	[sflag:s22] =	ssyncadd.s32 s4;
	_ =	sdelay $0x1  }
0xa1: {  	s23 =	simm.s32 $0x1B8B  }
0xa2: {  	_ =	swait.ge [sflag:s23], $0x1  }
0xa3: {  	[sflag:s23] =	ssyncset.done $0x0  }
0xa4: {  	s25 =	simm.s32 $0x1B8E;
	s24 =	sld [smem:$0x3FFE];
	[sflag:s23] =	ssyncadd.s32 $0xFFFFFFFF  }
0xa5: {  	s26 =	simm.s32 $execute0_lowered;
	[smem:$0x3FD2] =	sst s25  }
0xa6: {  	s5 =	sshll.u32 s26, $0x1;
	_ =	strace $0x80000046;
	[dreg:$0x1] =	wrdreg $0xFFFFFFFF  }
0xa7: {  	s28 =	simm.s32 $_size_execute0_lowered;
	s3 =	sadd.s32 s3, s5;
	[dreg:$0x0] =	wrdreg $0x0  }
0xa8: {  	s5 =	sshll.u32 s28, $0x1;
	[dreg:$0x2] =	wrdreg s3  }
0xa9: {  	[dreg:$0x3] =	wrdreg s5  }
0xaa: {  	[dreg:$0x4] =	wrdreg $0xC0  }
0xab: {  	_ =	task [dreg:s7], $0x5FFFF  }
0xac: {  	[dreg:$0x1] =	wrdreg $0xFFFFFFFF  }
0xad: {  	[dreg:$0x0] =	wrdreg $0x60  }
0xae: {  	[dreg:$0x2] =	wrdreg s24  }
0xaf: {  	[dreg:$0x3] =	wrdreg s2  }
0xb0: {  	[dreg:$0x4] =	wrdreg $0x28800  }
0xb1: {  	[dreg:$0x5] =	wrdreg $0x9  }
0xb2: {  	_ =	task.clear_ibuf [dreg:s7], $0x6FFFF;
	_ =	strace $0x90000046  }
0xb3: {  	s29 =	simm.s32 $0x9;
	_ =	strace $0x80000048  }
0xb4: {  	_ =	swait.ge [sflag:s29], $0x1  }
0xb5: {  	[sflag:s29] =	ssyncadd.s32 $0xFFFFFFFF  }
0xb6: {  	_ =	strace $0x90000048  }
0xb7: {  	_ =	sfence  }
0xb8: {  	s30 =	sld [smem:$0x0];
	_ =	sdelay $0x2  }
0xb9: {  	s31 =	sshll.u32 s1, $0xD;
	s1 =	sshrl.u32 s1, $0x2  }
0xba: {  	s3 =	sand.u32 $0x4000, s31;
	s1 =	sadd.s32 s1, s30  }
0xbb: {  	s0 =	sor.u32 s3, s0;
	s1 =	sshll.u32 s1, $0x11  }
0xbc: {  	s0 =	sor.u32 s1, s0  }
0xbd: {  	s0 =	sadd.s32 $0x8F2B, s0  }
0xbe: {  	[sflag:s0] =	ssyncadd.remote.s32 $0x1  }
0xbf: {  	_ =	sfence.sel $0xFFFF  }
0xc0: {  	[dreg:$0x0] =	wrdreg $0xFFFFFFFF;
	(pc) =	sbr.abs _section_cstart, $3  }
0xc1: {  	[dreg:$0x1] =	wrdreg $0xFFFFFFFF  }
0xc2: {  	_ =	task.clear_ibuf [dreg:s7], $0x2FFFF;
	_ =	strace $0x9FFFFFFF  }
0xc3: {  	(tm) =	ssettm $0x7FFFFFFF  }
tec
execute0_lowered:
.L_overlay_start_1:
0x0: {  	(tag) =	ssettag $0x1  }
0x1: {  	s5 =	rddreg [dreg:$0x0]  }
0x2: {  	s1 =	srdreg.scid;
	s6 =	rddreg [dreg:$0x1]  }
0x3: {  	s0 =	stileid.u32;
	s2 =	rddreg [dreg:$0x2];
	s3 =	simm.s32 $0x0  }
0x4: {  	s13 =	simm.s32 $0x50;
	s14 =	simm.s32 $0x0;
	s7 =	smul.u32 $0x4E20, s0  }
0x5: {  	s4 =	sand.u32 $0x1, s1;
	s1 =	rddreg [dreg:$0x3];
	s9 =	smul.u32 $0x278, s0  }
0x6: {  	[smem:$0x7FF] =	sst s3;
	s31 =	sshll.u32 s0, $0x6;
	s8 =	smul.u32 $0x2710, s4  }
0x7: {  	s25 =	smul.u32 $0x138800, s4;
	_ =	strace $0x80000047;
	s28 =	ssub.s32 $0x2, s4  }
0x8: {  	s4 =	sadd.s32 $0x16E00, s5;
	s24 =	smin.u32 s9, $0x2498;
	s12 =	sshrl.u32 s28, $0x1  }
0x9: {  	s7 =	sadd.s32 s8, s7;
	s10 =	sshll.u32 s24, $0x7;
	s9 =	ssub.s32 s28, s12  }
0xa: {  	s29 =	sshll.u32 s24, $0x4;
	s7 =	sshrl.u32 s7, $0x3;
	s26 =	sadd.s32 s25, s10  }
0xb: {  	s30 =	sadd.s32 s10, s2;
	s11 =	sadd.s32 s7, s5;
	s7 =	sshrl.u32 s26, $0x3  }
0xc: {  	s10 =	simm.s32 $0x1;
	s12 =	sshrl.u32 s30, $0x3;
	s7 =	sadd.s32 s7, s5  }
0xd: {  	s5 =	sadd.s32 s6, s29;
	s8 =	sadd.s32 $0xD000, s11;
	s11 =	sor.u32 $0x1C01, s31  }
0xe: {  	s6 =	sadd.s32 $0x17400, s7;
	s7 =	smax.u32 s9, $0x1;
	s9 =	simm.s32 $0x80  }
.LBB2_1:
0xf: {  	[tilespmem:s9], [sflag:$0x1] =	stream.linear.gather [hbm4b:s4+s3], $0x2800, $0x38;
	[tilespmem:$0x4F90] =	vst v63  }
0x10: {  	_ =	swait.ge [sflag:s10], $0x2800  }
0x11: {  	[sflag:s10] =	ssyncset.done $0x0  }
0x12: {  	[sflag:s10] =	ssyncadd.s32 $0xFFFFD800  }
0x13: {  	[spmem:s12], [sflag:s11] =	dma.local [hbm:s5], $0x2780  }
0x14: {  	_ =	swait.ge [sflag:s10], $0x2780  }
0x15: {  	[sflag:s10] =	ssyncset.done $0x0  }
0x16: {  	[sflag:s10] =	ssyncadd.s32 $0xFFFFD880  }
0x17: {  	s15 =	sadd.s32 $0x0, s8;
	[bflag:$0x0] =	sbarrier.arrive $0xFFFF  }
0x18: {  	[tilespmem:s3], [sflag:$0x1] =	stream.linear.gather [hbm4b:s15+s3], $0x50, $0x38;
	[tilespmem:$0x4F90] =	vst v63  }
0x19: {  	_ =	swait.ge [sflag:s10], $0x50  }
0x1a: {  	[sflag:s10] =	ssyncset.done $0x0  }
0x1b: {  	[sflag:s10] =	ssyncadd.s32 $0xFFFFFFB0  }
0x1c: {  	[spmem:s2] =	stream.indirect.scatter.add.f32 [tilespmem:s9], [sflag:$0x1], $0x10, s3, s13, $0xb8;
	[tilespmem:$0x4F90] =	vst v63  }
0x1d: {  	_ =	swait.ge [sflag:s10], $0x500  }
0x1e: {  	s16 =	simm.s32 $0x14;
	s15 =	simm.s32 $0xA;
	[sflag:s10] =	ssyncset.done $0x0  }
.LBB2_2:
0x1f: {  	s17 =	sadd.s32 s15, s8  }
0x20: {  	[sflag:s10] =	ssyncadd.s32 $0xFFFFFB00;
	s15 =	smov.u32 s16;
	s18 =	sadd.s32 $0xA, s16  }
0x21: {  	[tilespmem:s3], [sflag:$0x1] =	stream.linear.gather [hbm4b:s17+s3], $0x50, $0x38;
	[tilespmem:$0x4F90] =	vst v63  }
0x22: {  	p0 =	sne.s32 s16, $0x4D8;
	_ =	swait.ge [sflag:s10], $0x50  }
.Ltmp0:
0x23: {  	[sflag:s10] =	ssyncset.done $0x0;
	(pc) =	sbr.rel @p0 .LBB2_2-.Ltmp0, $4  }
0x24: {  	[sflag:s10] =	ssyncadd.s32 $0xFFFFFFB0  }
0x25: {  	[spmem:s2] =	stream.indirect.scatter.add.f32 [tilespmem:s9], [sflag:$0x1], $0x10, s3, s13, $0xb8;
	[tilespmem:$0x4F90] =	vst v63  }
0x26: {  	_ =	swait.ge [sflag:s10], $0x500  }
0x27: {  	s16 =	smov.u32 s18;
	[sflag:s10] =	ssyncset.done $0x0  }
0x28: {  	s15 =	sadd.s32 s15, s8;
	[sflag:s10] =	ssyncadd.s32 $0xFFFFFB00  }
0x29: {  	[tilespmem:s3], [sflag:$0x1] =	stream.linear.gather [hbm4b:s15+s3], $0x50, $0x38;
	[tilespmem:$0x4F90] =	vst v63  }
0x2a: {  	_ =	swait.ge [sflag:s10], $0x50  }
0x2b: {  	[sflag:s10] =	ssyncset.done $0x0  }
0x2c: {  	[sflag:s10] =	ssyncadd.s32 $0xFFFFFFB0  }
0x2d: {  	[spmem:s2] =	stream.indirect.scatter.add.f32 [tilespmem:s9], [sflag:$0x1], $0x10, s3, s13, $0xb8;
	[tilespmem:$0x4F90] =	vst v63  }
0x2e: {  	_ =	swait.ge [sflag:s10], $0x500  }
0x2f: {  	s14 =	sadd.s32 $0x1, s14;
	[sflag:s10] =	ssyncset.done $0x0  }
0x30: {  	p0 =	sne.s32 s14, s7;
	[sflag:s10] =	ssyncadd.s32 $0xFFFFFB00  }
.Ltmp1:
0x31: {  	[bflag:$0x0] =	sbarrier.arrive $0xFFFF;
	(pc) =	sbr.rel @p0 .LBB2_1-.Ltmp1, $4  }
0x32: {  	[hbm:s6], [sflag:s11] =	dma.local [spmem:s12], $0x2780  }
0x33: {  	_ =	swait.ge [sflag:s10], $0x2780  }
0x34: {  	[sflag:s10] =	ssyncset.done $0x0  }
0x35: {  	[sflag:s10] =	ssyncadd.s32 $0xFFFFD880  }
0x36: {  	_ =	sfence.sel $0x180000  }
0x37: {  	[bflag:$0x0] =	sbarrier.arrive $0xFFFF  }
0x38: {  	p0 =	sne.s32 s0, $0x0;
	_ =	strace $0x90000047  }
0x39: {  	s0 =	sadd.s32 @!p0 $0x100000, s1;
	[bflag:$0x2] =	sbarrier.arrive $0xFFFF  }
0x3a: {  	[sflag:s0] =	ssyncadd.tile.s32 @!p0 $0x1;
	_ =	shalt  }
.Lfunc_end2:
_tile_overlayer_lowered:
.L_overlay_start_2:
0x3b: {  	(tag) =	ssettag $0x2  }
0x3c: {  	s0 =	rddreg [dreg:$0x0];
	s2 =	stileid.u32  }
0x3d: {  	s1 =	rddreg [dreg:$0x1];
	p0 =	sne.s32 s2, $0x0  }
0x3e: {  	s3 =	rddreg [dreg:$0x2];
	[bflag:$0x3] =	sbarrier.arrive $0xFFFF;
	s2 =	simm.s32 @!p0 $0x1C01  }
0x3f: {  	[timem:s3], [sflag:s2] =	dma.local @!p0 [hbm:s0], s1  }
0x40: {  	s0 =	simm.s32 @!p0 $0x1  }
0x41: {  	_ =	swait.ge @!p0 [sflag:s0], s1  }
0x42: {  	s1 =	ssub.s32 @!p0 $0x0, s1;
	[sflag:s0] =	ssyncset.done @!p0 $0x0  }
0x43: {  	[sflag:s0] =	ssyncadd.s32 @!p0 s1  }
0x44: {  	[bflag:$0x3] =	sbarrier.arrive $0xFFFF  }
0x45: {  	_ =	shalt  }

// kernel: kernel.16.cloned.1.call-start
scs
__scs_entry_jumppad:
0x0: {  	(pc) =	sbr.rel $0x88, $3  }
0x1: {  	(tag) =	ssettag $0x0;
	lr =	simm.s32 $0x1  }
0x2: {  	[smem:$0x3F9A] =	sst lr;
	_ =	strace $0xD0000000  }
0x3: {  	_ = 	snop  }
0x4: {  	_ = 	snop  }
0x5: {  	_ = 	snop  }
0x6: {  	_ = 	snop  }
0x7: {  	_ = 	snop  }
__scs_overlays_trampoline_lowered:
0x8: {  	[smem:$0x3FA9] =	sst s0  }
0x9: {  	[smem:$0x3FAA] =	sst s1  }
0xa: {  	[smem:$0x3FAB] =	sst s2  }
0xb: {  	[smem:$0x3FAC] =	sst s3  }
0xc: {  	[smem:$0x3FAD] =	sst s4  }
0xd: {  	[smem:$0x3FAE] =	sst s5  }
0xe: {  	[smem:$0x3FAF] =	sst s6  }
0xf: {  	[smem:$0x3FB0] =	sst s7  }
0x10: {  	[smem:$0x3FB1] =	sst s8  }
0x11: {  	[smem:$0x3FB2] =	sst s9;
	s0 =	simm.s32 @!p0 $0x0  }
0x12: {  	s1 =	sld [smem:$0x3F98];
	s0 =	simm.s32 @p0 $0x1  }
0x13: {  	[smem:$0x3FB3] =	sst s0;
	s0 =	simm.s32 @!p1 $0x0  }
0x14: {  	s2 =	sld [smem:$0x3F97];
	s0 =	simm.s32 @p1 $0x1  }
0x15: {  	[smem:$0x3FB4] =	sst s0;
	s0 =	simm.s32 @!p2 $0x0  }
0x16: {  	s3 =	sld [smem:$0x3FDB];
	s0 =	simm.s32 @p2 $0x1  }
0x17: {  	s4 =	simm.s32 $0x1BF5;
	[smem:$0x3FB6] =	sst s0  }
0x18: {  	s0 =	sld [smem:$0x3F99];
	_ =	swait.ge [sflag:s4], $0x0  }
0x19: {  	s7 =	sld [smem:$0x3F9A]  }
0x1a: {  	s8 =	sadd.s32 $0xFFFFE003, lr  }
0x1b: {  	s9 =	sadd.s32 $0xFFFFFEF7, lr;
	s5 =	simm.s32 $0xFFFFFFFF;
	p2 =	slt.u32 s8, $0xFFFFF086  }
0x1c: {  	p1 =	slt.u32 s9, $0xF7A;
	s5 =	simm.s32 @!p2 $0x0  }
0x1d: {  	s5 =	simm.s32 @p1 $0x1;
	p0 =	seq.s32 s7, s2  }
0x1e: {  	s7 =	smul.u32 @!p0 $0xF7A, s2;
	p2 =	seq.s32 @!p0 s5, $0x0  }
0x1f: {  	s9 =	smul.u32 $0xF7A, s1;
	s8 =	simm.s32 @!p0 $0x1BF5;
	p2 =	por !p2, p0  }
0x20: {  	[sflag:s8] =	ssyncset.s32 @!p0 $0xFFFFF086;
	s6 =	sadd.s32 @!p0 s3, s7;
	s7 =	simm.s32 @!p0 $0x108  }
0x21: {  	s3 =	sadd.s32 s3, s9;
	s6 =	sadd.s32 @!p0 $0x88, s6;
	s7 =	simm.s32 @p2 $0x1082  }
0x22: {  	[simem:s7], [sflag:s8] =	dma.local @!p0 [hbm:s6], $0xF7A  }
0x23: {  	s9 =	sor.u32 $0xD0000000, s2;
	s6 =	simm.s32 $0x108;
	_ =	swait.ge @!p0 [sflag:s8], $0x0  }
0x24: {  	s3 =	sadd.s32 $0x88, s3;
	s6 =	simm.s32 @!p1 $0x1082;
	[sflag:s4] =	ssyncset.s32 $0xFFFFF086  }
0x25: {  	[simem:s6], [sflag:s4] =	dma.local [hbm:s3], $0xF7A  }
0x26: {  	[smem:$0x3F9A] =	sst s1;
	(tag) =	ssettag s2;
	_ =	strace s9  }
0x27: {  	s1 =	sld [smem:$0x3FAA]  }
0x28: {  	s2 =	sld [smem:$0x3FAB]  }
0x29: {  	s4 =	sld [smem:$0x3FAD]  }
0x2a: {  	p0 =	seq.s32 s5, $0x0;
	s5 =	sld [smem:$0x3FAE]  }
0x2b: {  	s6 =	sld [smem:$0x3FAF]  }
0x2c: {  	s7 =	sld [smem:$0x3FB0]  }
0x2d: {  	s3 =	simm.s32 $0x108;
	s8 =	sld [smem:$0x3FB1]  }
0x2e: {  	s3 =	simm.s32 @!p0 $0x1082;
	s9 =	sld [smem:$0x3FB2]  }
0x2f: {  	lr =	sadd.s32 s0, s3;
	s0 =	sld [smem:$0x3FA9]  }
0x30: {  	s3 =	sld [smem:$0x3FAC]  }
0x31: {  	[smem:$0x3FB5] =	sst s10  }
0x32: {  	s10 =	sld [smem:$0x3FB3];
	_ =	sdelay $0x3  }
0x33: {  	p0 =	seq.s32 s10, $0x1;
	s10 =	sld [smem:$0x3FB5];
	_ =	sdelay $0x3  }
0x34: {  	[smem:$0x3FB5] =	sst s10  }
0x35: {  	s10 =	sld [smem:$0x3FB4];
	_ =	sdelay $0x3  }
0x36: {  	p1 =	seq.s32 s10, $0x1;
	s10 =	sld [smem:$0x3FB5];
	_ =	sdelay $0x3  }
0x37: {  	[smem:$0x3FB5] =	sst s10  }
0x38: {  	s10 =	sld [smem:$0x3FB6]  }
0x39: {  	_ = 	snop;
	(pc) =	sbr.ind lr, $3  }
0x3a: {  	_ = 	snop  }
0x3b: {  	_ = 	snop  }
0x3c: {  	p2 =	seq.s32 s10, $0x1;
	s10 =	sld [smem:$0x3FB5]  }
0x3d: {  	_ =	shalt  }
0x3e: {  	_ =	shalt  }
0x3f: {  	_ =	shalt  }
0x40: {  	_ =	shalt  }
0x41: {  	_ =	shalt  }
0x42: {  	_ =	shalt  }
0x43: {  	_ =	shalt  }
0x44: {  	_ =	shalt  }
0x45: {  	_ =	shalt  }
0x46: {  	_ =	shalt  }
0x47: {  	_ =	shalt  }
0x48: {  	_ =	shalt  }
0x49: {  	_ =	shalt  }
0x4a: {  	_ =	shalt  }
0x4b: {  	_ =	shalt  }
0x4c: {  	_ =	shalt  }
0x4d: {  	_ =	shalt  }
0x4e: {  	_ =	shalt  }
0x4f: {  	_ =	shalt  }
0x50: {  	_ =	shalt  }
0x51: {  	_ =	shalt  }
0x52: {  	_ =	shalt  }
0x53: {  	_ =	shalt  }
0x54: {  	_ =	shalt  }
0x55: {  	_ =	shalt  }
0x56: {  	_ =	shalt  }
0x57: {  	_ =	shalt  }
0x58: {  	_ =	shalt  }
0x59: {  	_ =	shalt  }
0x5a: {  	_ =	shalt  }
0x5b: {  	_ =	shalt  }
0x5c: {  	_ =	shalt  }
0x5d: {  	_ =	shalt  }
0x5e: {  	_ =	shalt  }
0x5f: {  	_ =	shalt  }
0x60: {  	_ =	shalt  }
0x61: {  	_ =	shalt  }
0x62: {  	_ =	shalt  }
0x63: {  	_ =	shalt  }
0x64: {  	_ =	shalt  }
0x65: {  	_ =	shalt  }
0x66: {  	_ =	shalt  }
0x67: {  	_ =	shalt  }
0x68: {  	_ =	shalt  }
0x69: {  	_ =	shalt  }
0x6a: {  	_ =	shalt  }
0x6b: {  	_ =	shalt  }
0x6c: {  	_ =	shalt  }
0x6d: {  	_ =	shalt  }
0x6e: {  	_ =	shalt  }
0x6f: {  	_ =	shalt  }
0x70: {  	_ =	shalt  }
0x71: {  	_ =	shalt  }
0x72: {  	_ =	shalt  }
0x73: {  	_ =	shalt  }
0x74: {  	_ =	shalt  }
0x75: {  	_ =	shalt  }
0x76: {  	_ =	shalt  }
0x77: {  	_ =	shalt  }
0x78: {  	_ =	shalt  }
0x79: {  	_ =	shalt  }
0x7a: {  	_ =	shalt  }
0x7b: {  	_ =	shalt  }
0x7c: {  	_ =	shalt  }
0x7d: {  	_ =	shalt  }
0x7e: {  	_ =	shalt  }
0x7f: {  	_ =	shalt  }
0x80: {  	_ =	shalt  }
0x81: {  	_ =	shalt  }
0x82: {  	_ =	shalt  }
0x83: {  	_ =	shalt  }
0x84: {  	_ =	shalt  }
0x85: {  	_ =	shalt  }
0x86: {  	_ =	shalt  }
0x87: {  	_ =	shalt  }
.Lfunc_end0:
.L_simem_size_0:
called_computation.1_lowered:
.L_overlay_start_0:
0x88: {  	s2 =	sld [smem:$0x3FD9]  }
0x89: {  	s3 =	sld [smem:$0x3FFE];
	_ =	sdelay $0x1  }
0x8a: {  	s1 =	srdreg.scid  }
0x8b: {  	s0 =	sand.u32 $0x1, s1  }
0x8c: {  	s17 =	sshll.u32 s0, $0xA;
	s2 =	sadd.s32 s3, s2  }
0x8d: {  	s2 =	sadd.s32 s2, s17  }
0x8e: {  	[smem:$0x3FC1] =	sst s2  }
0x8f: {  	_ = 	snop  }
0x90: {  	s2 =	sld [smem:$0x3FD0];
	(tm) =	ssettm $0x1  }
0x91: {  	s18 =	sld [smem:$0x3FFB];
	_ =	sdelay $0x3  }
0x92: {  	_ =	strace s18  }
0x93: {  	s3 =	sld [smem:$0x3FFC];
	_ =	sdelay $0x3  }
0x94: {  	_ =	strace s3  }
0x95: {  	s3 =	sld [smem:$0x3FFD];
	_ =	sdelay $0x3  }
0x96: {  	_ =	strace s3  }
0x97: {  	_ =	strace $0x8FFFFFFF  }
0x98: {  	s19 =	sld [smem:$0x3FDB];
	_ =	sdelay $0x1  }
0x99: {  	s4 =	simm.s32 $_scs_section_size  }
0x9a: {  	s5 =	simm.s32 $_size__tile_overlayer_lowered;
	s6 =	simm.s32 $_tile_overlayer_lowered  }
0x9b: {  	s22 =	simm.s32 $0x1BFF;
	s21 =	sshll.u32 s6, $0x1;
	s3 =	sadd.s32 s4, s19  }
0x9c: {  	s7 =	simm.s32 $0x0;
	s20 =	sshll.u32 s5, $0x1;
	s5 =	sadd.s32 s21, s3  }
0x9d: {  	[timem:s7], [sflag:s22] =	dma.local [hbm:s5], s20  }
0x9e: {  	_ =	swait.ge [sflag:s22], s20  }
0x9f: {  	s4 =	ssub.s32 $0x0, s20;
	[sflag:s22] =	ssyncset.done $0x0  }
0xa0: {  	[sflag:s22] =	ssyncadd.s32 s4;
	_ =	sdelay $0x1  }
0xa1: {  	s23 =	simm.s32 $0x1B8B  }
0xa2: {  	_ =	swait.ge [sflag:s23], $0x1  }
0xa3: {  	[sflag:s23] =	ssyncset.done $0x0  }
0xa4: {  	s25 =	simm.s32 $0x1B8E;
	s24 =	sld [smem:$0x3FFE];
	[sflag:s23] =	ssyncadd.s32 $0xFFFFFFFF  }
0xa5: {  	s26 =	simm.s32 $execute0_lowered;
	[smem:$0x3FD2] =	sst s25  }
0xa6: {  	s5 =	sshll.u32 s26, $0x1;
	_ =	strace $0x80000049;
	[dreg:$0x1] =	wrdreg $0xFFFFFFFF  }
0xa7: {  	s28 =	simm.s32 $_size_execute0_lowered;
	s3 =	sadd.s32 s3, s5;
	[dreg:$0x0] =	wrdreg $0x0  }
0xa8: {  	s5 =	sshll.u32 s28, $0x1;
	[dreg:$0x2] =	wrdreg s3  }
0xa9: {  	[dreg:$0x3] =	wrdreg s5  }
0xaa: {  	[dreg:$0x4] =	wrdreg $0xC0  }
0xab: {  	_ =	task [dreg:s7], $0x5FFFF  }
0xac: {  	[dreg:$0x1] =	wrdreg $0xFFFFFFFF  }
0xad: {  	[dreg:$0x0] =	wrdreg $0x60  }
0xae: {  	[dreg:$0x2] =	wrdreg s2  }
0xaf: {  	[dreg:$0x3] =	wrdreg s24  }
0xb0: {  	[dreg:$0x4] =	wrdreg $0x29000  }
0xb1: {  	[dreg:$0x5] =	wrdreg $0x9  }
0xb2: {  	_ =	task.clear_ibuf [dreg:s7], $0x6FFFF;
	_ =	strace $0x90000049  }
0xb3: {  	s29 =	simm.s32 $0x9;
	_ =	strace $0x8000004B  }
0xb4: {  	_ =	swait.ge [sflag:s29], $0x1  }
0xb5: {  	[sflag:s29] =	ssyncadd.s32 $0xFFFFFFFF  }
0xb6: {  	_ =	strace $0x9000004B  }
0xb7: {  	_ =	sfence  }
0xb8: {  	s30 =	sld [smem:$0x0];
	_ =	sdelay $0x2  }
0xb9: {  	s31 =	sshll.u32 s1, $0xD;
	s1 =	sshrl.u32 s1, $0x2  }
0xba: {  	s3 =	sand.u32 $0x4000, s31;
	s1 =	sadd.s32 s1, s30  }
0xbb: {  	s0 =	sor.u32 s3, s0;
	s1 =	sshll.u32 s1, $0x11  }
0xbc: {  	s0 =	sor.u32 s1, s0  }
0xbd: {  	s0 =	sadd.s32 $0x8F2B, s0  }
0xbe: {  	[sflag:s0] =	ssyncadd.remote.s32 $0x1  }
0xbf: {  	_ =	sfence.sel $0xFFFF  }
0xc0: {  	[dreg:$0x0] =	wrdreg $0xFFFFFFFF;
	(pc) =	sbr.abs _section_cstart, $3  }
0xc1: {  	[dreg:$0x1] =	wrdreg $0xFFFFFFFF  }
0xc2: {  	_ =	task.clear_ibuf [dreg:s7], $0x2FFFF;
	_ =	strace $0x9FFFFFFF  }
0xc3: {  	(tm) =	ssettm $0x7FFFFFFF  }
tec
execute0_lowered:
.L_overlay_start_1:
0x0: {  	(tag) =	ssettag $0x1  }
0x1: {  	s1 =	rddreg [dreg:$0x0]  }
0x2: {  	s2 =	srdreg.scid;
	s5 =	rddreg [dreg:$0x1]  }
0x3: {  	s0 =	stileid.u32;
	s3 =	rddreg [dreg:$0x2];
	s4 =	simm.s32 $0x0  }
0x4: {  	s13 =	simm.s32 $0x80;
	s14 =	simm.s32 $0x50;
	s15 =	simm.s32 $0x100  }
0x5: {  	s16 =	simm.s32 $0x1;
	s17 =	simm.s32 $0x0;
	s7 =	smul.u32 $0x4E20, s0  }
0x6: {  	s6 =	sand.u32 $0x1, s2;
	s2 =	rddreg [dreg:$0x3];
	s9 =	smul.u32 $0x278, s0  }
0x7: {  	[smem:$0x7FF] =	sst s4;
	s31 =	sshll.u32 s0, $0x6;
	s8 =	smul.u32 $0x2710, s6  }
0x8: {  	s28 =	smul.u32 $0x138800, s6;
	_ =	strace $0x8000004A;
	s6 =	ssub.s32 $0x2, s6  }
0x9: {  	s26 =	smin.u32 s9, $0x2498;
	s30 =	sshrl.u32 s6, $0x1;
	s7 =	sadd.s32 s8, s7  }
0xa: {  	s10 =	sshll.u32 s26, $0x7;
	s8 =	sshll.u32 s26, $0x4;
	s9 =	ssub.s32 s6, s30  }
0xb: {  	s6 =	sor.u32 $0x1C02, s31;
	s7 =	sshrl.u32 s7, $0x3;
	s29 =	sadd.s32 s28, s10  }
0xc: {  	s8 =	sadd.s32 s8, s5;
	s11 =	sadd.s32 s7, s5;
	s7 =	sshrl.u32 s29, $0x3  }
0xd: {  	s12 =	sadd.s32 s10, s3;
	s7 =	sadd.s32 s7, s5;
	s5 =	sadd.s32 $0x65600, s8  }
0xe: {  	s8 =	smax.u32 s9, $0x1;
	s9 =	sadd.s32 $0xD000, s11;
	s10 =	sadd.s32 $0x3200, s11  }
0xf: {  	s11 =	sshrl.u32 s12, $0x3;
	s12 =	simm.s32 $0x2;
	s7 =	sadd.s32 $0x8C800, s7  }
.LBB2_1:
0x10: {  	[spmem:s11], [sflag:s6] =	dma.local [hbm:s5], $0x2780  }
0x11: {  	_ =	swait.ge [sflag:s12], $0x2780  }
0x12: {  	[sflag:s12] =	ssyncset.done $0x0  }
0x13: {  	[sflag:s12] =	ssyncadd.s32 $0xFFFFD880  }
0x14: {  	s18 =	sadd.s32 $0x0, s10;
	[bflag:$0x0] =	sbarrier.arrive $0xFFFF  }
0x15: {  	[tilespmem:s4], [sflag:$0x2] =	stream.linear.gather [hbm4b:s18+s4], $0x50, $0x38;
	[tilespmem:$0x16180] =	vst v63  }
0x16: {  	_ =	swait.ge [sflag:s12], $0x50  }
0x17: {  	[sflag:s12] =	ssyncset.done $0x0  }
0x18: {  	s31 =	sadd.s32 $0x0, s9;
	[sflag:s12] =	ssyncadd.s32 $0xFFFFFFB0  }
0x19: {  	[tilespmem:s13], [sflag:$0x2] =	stream.linear.gather [hbm4b:s31+s4], $0x50, $0x38;
	[tilespmem:$0x16180] =	vst v63  }
0x1a: {  	_ =	swait.ge [sflag:s12], $0x50  }
0x1b: {  	[sflag:s12] =	ssyncset.done $0x0  }
0x1c: {  	[sflag:s12] =	ssyncadd.s32 $0xFFFFFFB0  }
0x1d: {  	[tilespmem:s15], [sflag:$0x1] =	stream.indirect.gather [hbm4b:s1+s14], $0x80, s4, s14, $0xb8;
	[tilespmem:$0x16180] =	vst v63  }
0x1e: {  	_ =	swait.ge [sflag:s16], $0x2800  }
0x1f: {  	[sflag:s16] =	ssyncset.done $0x0  }
0x20: {  	[sflag:s16] =	ssyncadd.s32 $0xFFFFD800  }
0x21: {  	[spmem:s3] =	stream.indirect.scatter.add.f32 [tilespmem:s15], [sflag:$0x2], $0x80, s13, s14, $0xb8;
	[tilespmem:$0x16180] =	vst v63  }
0x22: {  	_ =	swait.ge [sflag:s12], $0x2800  }
0x23: {  	s19 =	simm.s32 $0x14;
	s18 =	simm.s32 $0xA;
	[sflag:s12] =	ssyncset.done $0x0  }
.LBB2_2:
0x24: {  	s20 =	sadd.s32 s18, s10  }
0x25: {  	[sflag:s12] =	ssyncadd.s32 $0xFFFFD800;
	s21 =	smov.u32 s19;
	s22 =	sadd.s32 $0xA, s19  }
0x26: {  	[tilespmem:s4], [sflag:$0x2] =	stream.linear.gather [hbm4b:s20+s4], $0x50, $0x38;
	[tilespmem:$0x16180] =	vst v63  }
0x27: {  	p0 =	sne.s32 s19, $0x4D8;
	_ =	swait.ge [sflag:s12], $0x50  }
0x28: {  	[sflag:s12] =	ssyncset.done $0x0  }
0x29: {  	s19 =	sadd.s32 s18, s9;
	s18 =	smov.u32 s21;
	[sflag:s12] =	ssyncadd.s32 $0xFFFFFFB0  }
0x2a: {  	[tilespmem:s13], [sflag:$0x2] =	stream.linear.gather [hbm4b:s19+s4], $0x50, $0x38;
	[tilespmem:$0x16180] =	vst v63  }
0x2b: {  	_ =	swait.ge [sflag:s12], $0x50  }
0x2c: {  	[sflag:s12] =	ssyncset.done $0x0  }
0x2d: {  	[sflag:s12] =	ssyncadd.s32 $0xFFFFFFB0  }
0x2e: {  	[tilespmem:s15], [sflag:$0x1] =	stream.indirect.gather [hbm4b:s1+s14], $0x80, s4, s14, $0xb8;
	[tilespmem:$0x16180] =	vst v63  }
0x2f: {  	_ =	swait.ge [sflag:s16], $0x2800  }
.Ltmp0:
0x30: {  	[sflag:s16] =	ssyncset.done $0x0;
	(pc) =	sbr.rel @p0 .LBB2_2-.Ltmp0, $4  }
0x31: {  	[sflag:s16] =	ssyncadd.s32 $0xFFFFD800  }
0x32: {  	[spmem:s3] =	stream.indirect.scatter.add.f32 [tilespmem:s15], [sflag:$0x2], $0x80, s13, s14, $0xb8;
	[tilespmem:$0x16180] =	vst v63  }
0x33: {  	_ =	swait.ge [sflag:s12], $0x2800  }
0x34: {  	s19 =	smov.u32 s22;
	[sflag:s12] =	ssyncset.done $0x0  }
0x35: {  	s19 =	sadd.s32 s18, s10;
	[sflag:s12] =	ssyncadd.s32 $0xFFFFD800  }
0x36: {  	[tilespmem:s4], [sflag:$0x2] =	stream.linear.gather [hbm4b:s19+s4], $0x50, $0x38;
	[tilespmem:$0x16180] =	vst v63  }
0x37: {  	_ =	swait.ge [sflag:s12], $0x50  }
0x38: {  	[sflag:s12] =	ssyncset.done $0x0  }
0x39: {  	s31 =	sadd.s32 s18, s9;
	[sflag:s12] =	ssyncadd.s32 $0xFFFFFFB0  }
0x3a: {  	[tilespmem:s13], [sflag:$0x2] =	stream.linear.gather [hbm4b:s31+s4], $0x50, $0x38;
	[tilespmem:$0x16180] =	vst v63  }
0x3b: {  	_ =	swait.ge [sflag:s12], $0x50  }
0x3c: {  	[sflag:s12] =	ssyncset.done $0x0  }
0x3d: {  	[sflag:s12] =	ssyncadd.s32 $0xFFFFFFB0  }
0x3e: {  	[tilespmem:s15], [sflag:$0x1] =	stream.indirect.gather [hbm4b:s1+s14], $0x80, s4, s14, $0xb8;
	[tilespmem:$0x16180] =	vst v63  }
0x3f: {  	_ =	swait.ge [sflag:s16], $0x2800  }
0x40: {  	[sflag:s16] =	ssyncset.done $0x0  }
0x41: {  	[sflag:s16] =	ssyncadd.s32 $0xFFFFD800  }
0x42: {  	[spmem:s3] =	stream.indirect.scatter.add.f32 [tilespmem:s15], [sflag:$0x2], $0x80, s13, s14, $0xb8;
	[tilespmem:$0x16180] =	vst v63  }
0x43: {  	_ =	swait.ge [sflag:s12], $0x2800  }
0x44: {  	s17 =	sadd.s32 $0x1, s17;
	[sflag:s12] =	ssyncset.done $0x0  }
0x45: {  	p0 =	sne.s32 s17, s8;
	[sflag:s12] =	ssyncadd.s32 $0xFFFFD800  }
.Ltmp1:
0x46: {  	[bflag:$0x0] =	sbarrier.arrive $0xFFFF;
	(pc) =	sbr.rel @p0 .LBB2_1-.Ltmp1, $4  }
0x47: {  	[hbm:s7], [sflag:s6] =	dma.local [spmem:s11], $0x2780  }
0x48: {  	_ =	swait.ge [sflag:s12], $0x2780  }
0x49: {  	[sflag:s12] =	ssyncset.done $0x0  }
0x4a: {  	[sflag:s12] =	ssyncadd.s32 $0xFFFFD880  }
0x4b: {  	_ =	sfence.sel $0x180000  }
0x4c: {  	[bflag:$0x0] =	sbarrier.arrive $0xFFFF  }
0x4d: {  	p0 =	sne.s32 s0, $0x0;
	_ =	strace $0x9000004A  }
0x4e: {  	s0 =	sadd.s32 @!p0 $0x100000, s2;
	[bflag:$0x2] =	sbarrier.arrive $0xFFFF  }
0x4f: {  	[sflag:s0] =	ssyncadd.tile.s32 @!p0 $0x1;
	_ =	shalt  }
.Lfunc_end2:
_tile_overlayer_lowered:
.L_overlay_start_2:
0x50: {  	(tag) =	ssettag $0x2  }
0x51: {  	s0 =	rddreg [dreg:$0x0];
	s2 =	stileid.u32  }
0x52: {  	s1 =	rddreg [dreg:$0x1];
	p0 =	sne.s32 s2, $0x0  }
0x53: {  	s3 =	rddreg [dreg:$0x2];
	[bflag:$0x3] =	sbarrier.arrive $0xFFFF;
	s2 =	simm.s32 @!p0 $0x1C02  }
0x54: {  	[timem:s3], [sflag:s2] =	dma.local @!p0 [hbm:s0], s1  }
0x55: {  	s0 =	simm.s32 @!p0 $0x2  }
0x56: {  	_ =	swait.ge @!p0 [sflag:s0], s1  }
0x57: {  	s1 =	ssub.s32 @!p0 $0x0, s1;
	[sflag:s0] =	ssyncset.done @!p0 $0x0  }
0x58: {  	[sflag:s0] =	ssyncadd.s32 @!p0 s1  }
0x59: {  	[bflag:$0x3] =	sbarrier.arrive $0xFFFF  }
0x5a: {  	_ =	shalt  }

// kernel: kernel.19.cloned.1.call-start
scs
__scs_entry_jumppad:
0x0: {  	(pc) =	sbr.rel $0x88, $3  }
0x1: {  	(tag) =	ssettag $0x0;
	lr =	simm.s32 $0x1  }
0x2: {  	[smem:$0x3F9A] =	sst lr;
	_ =	strace $0xD0000000  }
0x3: {  	_ = 	snop  }
0x4: {  	_ = 	snop  }
0x5: {  	_ = 	snop  }
0x6: {  	_ = 	snop  }
0x7: {  	_ = 	snop  }
__scs_overlays_trampoline_lowered:
0x8: {  	[smem:$0x3FA9] =	sst s0  }
0x9: {  	[smem:$0x3FAA] =	sst s1  }
0xa: {  	[smem:$0x3FAB] =	sst s2  }
0xb: {  	[smem:$0x3FAC] =	sst s3  }
0xc: {  	[smem:$0x3FAD] =	sst s4  }
0xd: {  	[smem:$0x3FAE] =	sst s5  }
0xe: {  	[smem:$0x3FAF] =	sst s6  }
0xf: {  	[smem:$0x3FB0] =	sst s7  }
0x10: {  	[smem:$0x3FB1] =	sst s8  }
0x11: {  	[smem:$0x3FB2] =	sst s9;
	s0 =	simm.s32 @!p0 $0x0  }
0x12: {  	s1 =	sld [smem:$0x3F98];
	s0 =	simm.s32 @p0 $0x1  }
0x13: {  	[smem:$0x3FB3] =	sst s0;
	s0 =	simm.s32 @!p1 $0x0  }
0x14: {  	s2 =	sld [smem:$0x3F97];
	s0 =	simm.s32 @p1 $0x1  }
0x15: {  	[smem:$0x3FB4] =	sst s0;
	s0 =	simm.s32 @!p2 $0x0  }
0x16: {  	s3 =	sld [smem:$0x3FDB];
	s0 =	simm.s32 @p2 $0x1  }
0x17: {  	s4 =	simm.s32 $0x1BF5;
	[smem:$0x3FB6] =	sst s0  }
0x18: {  	s0 =	sld [smem:$0x3F99];
	_ =	swait.ge [sflag:s4], $0x0  }
0x19: {  	s7 =	sld [smem:$0x3F9A]  }
0x1a: {  	s8 =	sadd.s32 $0xFFFFE003, lr  }
0x1b: {  	s9 =	sadd.s32 $0xFFFFFEF7, lr;
	s5 =	simm.s32 $0xFFFFFFFF;
	p2 =	slt.u32 s8, $0xFFFFF086  }
0x1c: {  	p1 =	slt.u32 s9, $0xF7A;
	s5 =	simm.s32 @!p2 $0x0  }
0x1d: {  	s5 =	simm.s32 @p1 $0x1;
	p0 =	seq.s32 s7, s2  }
0x1e: {  	s7 =	smul.u32 @!p0 $0xF7A, s2;
	p2 =	seq.s32 @!p0 s5, $0x0  }
0x1f: {  	s9 =	smul.u32 $0xF7A, s1;
	s8 =	simm.s32 @!p0 $0x1BF5;
	p2 =	por !p2, p0  }
0x20: {  	[sflag:s8] =	ssyncset.s32 @!p0 $0xFFFFF086;
	s6 =	sadd.s32 @!p0 s3, s7;
	s7 =	simm.s32 @!p0 $0x108  }
0x21: {  	s3 =	sadd.s32 s3, s9;
	s6 =	sadd.s32 @!p0 $0x88, s6;
	s7 =	simm.s32 @p2 $0x1082  }
0x22: {  	[simem:s7], [sflag:s8] =	dma.local @!p0 [hbm:s6], $0xF7A  }
0x23: {  	s9 =	sor.u32 $0xD0000000, s2;
	s6 =	simm.s32 $0x108;
	_ =	swait.ge @!p0 [sflag:s8], $0x0  }
0x24: {  	s3 =	sadd.s32 $0x88, s3;
	s6 =	simm.s32 @!p1 $0x1082;
	[sflag:s4] =	ssyncset.s32 $0xFFFFF086  }
0x25: {  	[simem:s6], [sflag:s4] =	dma.local [hbm:s3], $0xF7A  }
0x26: {  	[smem:$0x3F9A] =	sst s1;
	(tag) =	ssettag s2;
	_ =	strace s9  }
0x27: {  	s1 =	sld [smem:$0x3FAA]  }
0x28: {  	s2 =	sld [smem:$0x3FAB]  }
0x29: {  	s4 =	sld [smem:$0x3FAD]  }
0x2a: {  	p0 =	seq.s32 s5, $0x0;
	s5 =	sld [smem:$0x3FAE]  }
0x2b: {  	s6 =	sld [smem:$0x3FAF]  }
0x2c: {  	s7 =	sld [smem:$0x3FB0]  }
0x2d: {  	s3 =	simm.s32 $0x108;
	s8 =	sld [smem:$0x3FB1]  }
0x2e: {  	s3 =	simm.s32 @!p0 $0x1082;
	s9 =	sld [smem:$0x3FB2]  }
0x2f: {  	lr =	sadd.s32 s0, s3;
	s0 =	sld [smem:$0x3FA9]  }
0x30: {  	s3 =	sld [smem:$0x3FAC]  }
0x31: {  	[smem:$0x3FB5] =	sst s10  }
0x32: {  	s10 =	sld [smem:$0x3FB3];
	_ =	sdelay $0x3  }
0x33: {  	p0 =	seq.s32 s10, $0x1;
	s10 =	sld [smem:$0x3FB5];
	_ =	sdelay $0x3  }
0x34: {  	[smem:$0x3FB5] =	sst s10  }
0x35: {  	s10 =	sld [smem:$0x3FB4];
	_ =	sdelay $0x3  }
0x36: {  	p1 =	seq.s32 s10, $0x1;
	s10 =	sld [smem:$0x3FB5];
	_ =	sdelay $0x3  }
0x37: {  	[smem:$0x3FB5] =	sst s10  }
0x38: {  	s10 =	sld [smem:$0x3FB6]  }
0x39: {  	_ = 	snop;
	(pc) =	sbr.ind lr, $3  }
0x3a: {  	_ = 	snop  }
0x3b: {  	_ = 	snop  }
0x3c: {  	p2 =	seq.s32 s10, $0x1;
	s10 =	sld [smem:$0x3FB5]  }
0x3d: {  	_ =	shalt  }
0x3e: {  	_ =	shalt  }
0x3f: {  	_ =	shalt  }
0x40: {  	_ =	shalt  }
0x41: {  	_ =	shalt  }
0x42: {  	_ =	shalt  }
0x43: {  	_ =	shalt  }
0x44: {  	_ =	shalt  }
0x45: {  	_ =	shalt  }
0x46: {  	_ =	shalt  }
0x47: {  	_ =	shalt  }
0x48: {  	_ =	shalt  }
0x49: {  	_ =	shalt  }
0x4a: {  	_ =	shalt  }
0x4b: {  	_ =	shalt  }
0x4c: {  	_ =	shalt  }
0x4d: {  	_ =	shalt  }
0x4e: {  	_ =	shalt  }
0x4f: {  	_ =	shalt  }
0x50: {  	_ =	shalt  }
0x51: {  	_ =	shalt  }
0x52: {  	_ =	shalt  }
0x53: {  	_ =	shalt  }
0x54: {  	_ =	shalt  }
0x55: {  	_ =	shalt  }
0x56: {  	_ =	shalt  }
0x57: {  	_ =	shalt  }
0x58: {  	_ =	shalt  }
0x59: {  	_ =	shalt  }
0x5a: {  	_ =	shalt  }
0x5b: {  	_ =	shalt  }
0x5c: {  	_ =	shalt  }
0x5d: {  	_ =	shalt  }
0x5e: {  	_ =	shalt  }
0x5f: {  	_ =	shalt  }
0x60: {  	_ =	shalt  }
0x61: {  	_ =	shalt  }
0x62: {  	_ =	shalt  }
0x63: {  	_ =	shalt  }
0x64: {  	_ =	shalt  }
0x65: {  	_ =	shalt  }
0x66: {  	_ =	shalt  }
0x67: {  	_ =	shalt  }
0x68: {  	_ =	shalt  }
0x69: {  	_ =	shalt  }
0x6a: {  	_ =	shalt  }
0x6b: {  	_ =	shalt  }
0x6c: {  	_ =	shalt  }
0x6d: {  	_ =	shalt  }
0x6e: {  	_ =	shalt  }
0x6f: {  	_ =	shalt  }
0x70: {  	_ =	shalt  }
0x71: {  	_ =	shalt  }
0x72: {  	_ =	shalt  }
0x73: {  	_ =	shalt  }
0x74: {  	_ =	shalt  }
0x75: {  	_ =	shalt  }
0x76: {  	_ =	shalt  }
0x77: {  	_ =	shalt  }
0x78: {  	_ =	shalt  }
0x79: {  	_ =	shalt  }
0x7a: {  	_ =	shalt  }
0x7b: {  	_ =	shalt  }
0x7c: {  	_ =	shalt  }
0x7d: {  	_ =	shalt  }
0x7e: {  	_ =	shalt  }
0x7f: {  	_ =	shalt  }
0x80: {  	_ =	shalt  }
0x81: {  	_ =	shalt  }
0x82: {  	_ =	shalt  }
0x83: {  	_ =	shalt  }
0x84: {  	_ =	shalt  }
0x85: {  	_ =	shalt  }
0x86: {  	_ =	shalt  }
0x87: {  	_ =	shalt  }
.Lfunc_end0:
.L_simem_size_0:
called_computation.2_lowered:
.L_overlay_start_0:
0x88: {  	s2 =	sld [smem:$0x3FD9]  }
0x89: {  	s3 =	sld [smem:$0x3FFE];
	_ =	sdelay $0x1  }
0x8a: {  	s1 =	srdreg.scid  }
0x8b: {  	s0 =	sand.u32 $0x1, s1  }
0x8c: {  	s17 =	sshll.u32 s0, $0xA;
	s2 =	sadd.s32 s3, s2  }
0x8d: {  	s2 =	sadd.s32 s2, s17  }
0x8e: {  	[smem:$0x3FC1] =	sst s2  }
0x8f: {  	_ = 	snop  }
0x90: {  	s2 =	sld [smem:$0x3FD0];
	(tm) =	ssettm $0x1  }
0x91: {  	s18 =	sld [smem:$0x3FFB];
	_ =	sdelay $0x3  }
0x92: {  	_ =	strace s18  }
0x93: {  	s3 =	sld [smem:$0x3FFC];
	_ =	sdelay $0x3  }
0x94: {  	_ =	strace s3  }
0x95: {  	s3 =	sld [smem:$0x3FFD];
	_ =	sdelay $0x3  }
0x96: {  	_ =	strace s3  }
0x97: {  	_ =	strace $0x8FFFFFFF  }
0x98: {  	s19 =	sld [smem:$0x3FDB];
	_ =	sdelay $0x1  }
0x99: {  	s4 =	simm.s32 $_scs_section_size  }
0x9a: {  	s5 =	simm.s32 $_size__tile_overlayer_lowered;
	s6 =	simm.s32 $_tile_overlayer_lowered  }
0x9b: {  	s22 =	simm.s32 $0x1BFF;
	s21 =	sshll.u32 s6, $0x1;
	s3 =	sadd.s32 s4, s19  }
0x9c: {  	s7 =	simm.s32 $0x0;
	s20 =	sshll.u32 s5, $0x1;
	s5 =	sadd.s32 s21, s3  }
0x9d: {  	[timem:s7], [sflag:s22] =	dma.local [hbm:s5], s20  }
0x9e: {  	_ =	swait.ge [sflag:s22], s20  }
0x9f: {  	s4 =	ssub.s32 $0x0, s20;
	[sflag:s22] =	ssyncset.done $0x0  }
0xa0: {  	[sflag:s22] =	ssyncadd.s32 s4;
	_ =	sdelay $0x1  }
0xa1: {  	s23 =	simm.s32 $0x1B8B  }
0xa2: {  	_ =	swait.ge [sflag:s23], $0x1  }
0xa3: {  	[sflag:s23] =	ssyncset.done $0x0  }
0xa4: {  	s25 =	simm.s32 $0x1B8E;
	s24 =	sld [smem:$0x3FFE];
	[sflag:s23] =	ssyncadd.s32 $0xFFFFFFFF  }
0xa5: {  	s26 =	simm.s32 $execute0_lowered;
	[smem:$0x3FD2] =	sst s25  }
0xa6: {  	s5 =	sshll.u32 s26, $0x1;
	_ =	strace $0x8000004C;
	[dreg:$0x1] =	wrdreg $0xFFFFFFFF  }
0xa7: {  	s28 =	simm.s32 $_size_execute0_lowered;
	s3 =	sadd.s32 s3, s5;
	[dreg:$0x0] =	wrdreg $0x0  }
0xa8: {  	s5 =	sshll.u32 s28, $0x1;
	[dreg:$0x2] =	wrdreg s3  }
0xa9: {  	[dreg:$0x3] =	wrdreg s5  }
0xaa: {  	[dreg:$0x4] =	wrdreg $0xC0  }
0xab: {  	_ =	task [dreg:s7], $0x5FFFF  }
0xac: {  	[dreg:$0x1] =	wrdreg $0xFFFFFFFF  }
0xad: {  	[dreg:$0x0] =	wrdreg $0x60  }
0xae: {  	[dreg:$0x2] =	wrdreg s2  }
0xaf: {  	[dreg:$0x3] =	wrdreg s24  }
0xb0: {  	[dreg:$0x4] =	wrdreg $0x29000  }
0xb1: {  	[dreg:$0x5] =	wrdreg $0x9  }
0xb2: {  	_ =	task.clear_ibuf [dreg:s7], $0x6FFFF;
	_ =	strace $0x9000004C  }
0xb3: {  	s29 =	simm.s32 $0x9;
	_ =	strace $0x8000004E  }
0xb4: {  	_ =	swait.ge [sflag:s29], $0x1  }
0xb5: {  	[sflag:s29] =	ssyncadd.s32 $0xFFFFFFFF  }
0xb6: {  	_ =	strace $0x9000004E  }
0xb7: {  	_ =	sfence  }
0xb8: {  	s30 =	sld [smem:$0x0];
	_ =	sdelay $0x2  }
0xb9: {  	s31 =	sshll.u32 s1, $0xD;
	s1 =	sshrl.u32 s1, $0x2  }
0xba: {  	s3 =	sand.u32 $0x4000, s31;
	s1 =	sadd.s32 s1, s30  }
0xbb: {  	s0 =	sor.u32 s3, s0;
	s1 =	sshll.u32 s1, $0x11  }
0xbc: {  	s0 =	sor.u32 s1, s0  }
0xbd: {  	s0 =	sadd.s32 $0x8F2B, s0  }
0xbe: {  	[sflag:s0] =	ssyncadd.remote.s32 $0x1  }
0xbf: {  	_ =	sfence.sel $0xFFFF  }
0xc0: {  	[dreg:$0x0] =	wrdreg $0xFFFFFFFF;
	(pc) =	sbr.abs _section_cstart, $3  }
0xc1: {  	[dreg:$0x1] =	wrdreg $0xFFFFFFFF  }
0xc2: {  	_ =	task.clear_ibuf [dreg:s7], $0x2FFFF;
	_ =	strace $0x9FFFFFFF  }
0xc3: {  	(tm) =	ssettm $0x7FFFFFFF  }
tec
execute0_lowered:
.L_overlay_start_1:
0x0: {  	(tag) =	ssettag $0x1  }
0x1: {  	s1 =	rddreg [dreg:$0x0]  }
0x2: {  	s2 =	srdreg.scid;
	s5 =	rddreg [dreg:$0x1]  }
0x3: {  	s0 =	stileid.u32;
	s3 =	rddreg [dreg:$0x2];
	s4 =	simm.s32 $0x0  }
0x4: {  	s13 =	simm.s32 $0x80;
	s14 =	simm.s32 $0x50;
	s15 =	simm.s32 $0x100  }
0x5: {  	s16 =	simm.s32 $0x1;
	s17 =	simm.s32 $0x0;
	s7 =	smul.u32 $0x4E20, s0  }
0x6: {  	s6 =	sand.u32 $0x1, s2;
	s2 =	rddreg [dreg:$0x3];
	s9 =	smul.u32 $0x278, s0  }
0x7: {  	[smem:$0x7FF] =	sst s4;
	s31 =	sshll.u32 s0, $0x6;
	s8 =	smul.u32 $0x2710, s6  }
0x8: {  	s28 =	smul.u32 $0x138800, s6;
	_ =	strace $0x8000004D;
	s6 =	ssub.s32 $0x2, s6  }
0x9: {  	s26 =	smin.u32 s9, $0x2498;
	s30 =	sshrl.u32 s6, $0x1;
	s7 =	sadd.s32 s8, s7  }
0xa: {  	s10 =	sshll.u32 s26, $0x7;
	s8 =	sshll.u32 s26, $0x4;
	s9 =	ssub.s32 s6, s30  }
0xb: {  	s6 =	sor.u32 $0x1C02, s31;
	s7 =	sshrl.u32 s7, $0x3;
	s29 =	sadd.s32 s28, s10  }
0xc: {  	s8 =	sadd.s32 s8, s5;
	s11 =	sadd.s32 s7, s5;
	s7 =	sshrl.u32 s29, $0x3  }
0xd: {  	s12 =	sadd.s32 s10, s3;
	s7 =	sadd.s32 s7, s5;
	s5 =	sadd.s32 $0x65600, s8  }
0xe: {  	s8 =	smax.u32 s9, $0x1;
	s9 =	sadd.s32 $0xD000, s11;
	s10 =	sadd.s32 $0x3200, s11  }
0xf: {  	s11 =	sshrl.u32 s12, $0x3;
	s12 =	simm.s32 $0x2;
	s7 =	sadd.s32 $0x8C800, s7  }
.LBB2_1:
0x10: {  	[spmem:s11], [sflag:s6] =	dma.local [hbm:s5], $0x2780  }
0x11: {  	_ =	swait.ge [sflag:s12], $0x2780  }
0x12: {  	[sflag:s12] =	ssyncset.done $0x0  }
0x13: {  	[sflag:s12] =	ssyncadd.s32 $0xFFFFD880  }
0x14: {  	s18 =	sadd.s32 $0x0, s10;
	[bflag:$0x0] =	sbarrier.arrive $0xFFFF  }
0x15: {  	[tilespmem:s4], [sflag:$0x2] =	stream.linear.gather [hbm4b:s18+s4], $0x50, $0x38;
	[tilespmem:$0x16180] =	vst v63  }
0x16: {  	_ =	swait.ge [sflag:s12], $0x50  }
0x17: {  	[sflag:s12] =	ssyncset.done $0x0  }
0x18: {  	s31 =	sadd.s32 $0x0, s9;
	[sflag:s12] =	ssyncadd.s32 $0xFFFFFFB0  }
0x19: {  	[tilespmem:s13], [sflag:$0x2] =	stream.linear.gather [hbm4b:s31+s4], $0x50, $0x38;
	[tilespmem:$0x16180] =	vst v63  }
0x1a: {  	_ =	swait.ge [sflag:s12], $0x50  }
0x1b: {  	[sflag:s12] =	ssyncset.done $0x0  }
0x1c: {  	[sflag:s12] =	ssyncadd.s32 $0xFFFFFFB0  }
0x1d: {  	[tilespmem:s15], [sflag:$0x1] =	stream.indirect.gather [hbm4b:s1+s14], $0x80, s4, s14, $0xb8;
	[tilespmem:$0x16180] =	vst v63  }
0x1e: {  	_ =	swait.ge [sflag:s16], $0x2800  }
0x1f: {  	[sflag:s16] =	ssyncset.done $0x0  }
0x20: {  	[sflag:s16] =	ssyncadd.s32 $0xFFFFD800  }
0x21: {  	[spmem:s3] =	stream.indirect.scatter.add.f32 [tilespmem:s15], [sflag:$0x2], $0x80, s13, s14, $0xb8;
	[tilespmem:$0x16180] =	vst v63  }
0x22: {  	_ =	swait.ge [sflag:s12], $0x2800  }
0x23: {  	s19 =	simm.s32 $0x14;
	s18 =	simm.s32 $0xA;
	[sflag:s12] =	ssyncset.done $0x0  }
.LBB2_2:
0x24: {  	s20 =	sadd.s32 s18, s10  }
0x25: {  	[sflag:s12] =	ssyncadd.s32 $0xFFFFD800;
	s21 =	smov.u32 s19;
	s22 =	sadd.s32 $0xA, s19  }
0x26: {  	[tilespmem:s4], [sflag:$0x2] =	stream.linear.gather [hbm4b:s20+s4], $0x50, $0x38;
	[tilespmem:$0x16180] =	vst v63  }
0x27: {  	p0 =	sne.s32 s19, $0x4D8;
	_ =	swait.ge [sflag:s12], $0x50  }
0x28: {  	[sflag:s12] =	ssyncset.done $0x0  }
0x29: {  	s19 =	sadd.s32 s18, s9;
	s18 =	smov.u32 s21;
	[sflag:s12] =	ssyncadd.s32 $0xFFFFFFB0  }
0x2a: {  	[tilespmem:s13], [sflag:$0x2] =	stream.linear.gather [hbm4b:s19+s4], $0x50, $0x38;
	[tilespmem:$0x16180] =	vst v63  }
0x2b: {  	_ =	swait.ge [sflag:s12], $0x50  }
0x2c: {  	[sflag:s12] =	ssyncset.done $0x0  }
0x2d: {  	[sflag:s12] =	ssyncadd.s32 $0xFFFFFFB0  }
0x2e: {  	[tilespmem:s15], [sflag:$0x1] =	stream.indirect.gather [hbm4b:s1+s14], $0x80, s4, s14, $0xb8;
	[tilespmem:$0x16180] =	vst v63  }
0x2f: {  	_ =	swait.ge [sflag:s16], $0x2800  }
.Ltmp0:
0x30: {  	[sflag:s16] =	ssyncset.done $0x0;
	(pc) =	sbr.rel @p0 .LBB2_2-.Ltmp0, $4  }
0x31: {  	[sflag:s16] =	ssyncadd.s32 $0xFFFFD800  }
0x32: {  	[spmem:s3] =	stream.indirect.scatter.add.f32 [tilespmem:s15], [sflag:$0x2], $0x80, s13, s14, $0xb8;
	[tilespmem:$0x16180] =	vst v63  }
0x33: {  	_ =	swait.ge [sflag:s12], $0x2800  }
0x34: {  	s19 =	smov.u32 s22;
	[sflag:s12] =	ssyncset.done $0x0  }
0x35: {  	s19 =	sadd.s32 s18, s10;
	[sflag:s12] =	ssyncadd.s32 $0xFFFFD800  }
0x36: {  	[tilespmem:s4], [sflag:$0x2] =	stream.linear.gather [hbm4b:s19+s4], $0x50, $0x38;
	[tilespmem:$0x16180] =	vst v63  }
0x37: {  	_ =	swait.ge [sflag:s12], $0x50  }
0x38: {  	[sflag:s12] =	ssyncset.done $0x0  }
0x39: {  	s31 =	sadd.s32 s18, s9;
	[sflag:s12] =	ssyncadd.s32 $0xFFFFFFB0  }
0x3a: {  	[tilespmem:s13], [sflag:$0x2] =	stream.linear.gather [hbm4b:s31+s4], $0x50, $0x38;
	[tilespmem:$0x16180] =	vst v63  }
0x3b: {  	_ =	swait.ge [sflag:s12], $0x50  }
0x3c: {  	[sflag:s12] =	ssyncset.done $0x0  }
0x3d: {  	[sflag:s12] =	ssyncadd.s32 $0xFFFFFFB0  }
0x3e: {  	[tilespmem:s15], [sflag:$0x1] =	stream.indirect.gather [hbm4b:s1+s14], $0x80, s4, s14, $0xb8;
	[tilespmem:$0x16180] =	vst v63  }
0x3f: {  	_ =	swait.ge [sflag:s16], $0x2800  }
0x40: {  	[sflag:s16] =	ssyncset.done $0x0  }
0x41: {  	[sflag:s16] =	ssyncadd.s32 $0xFFFFD800  }
0x42: {  	[spmem:s3] =	stream.indirect.scatter.add.f32 [tilespmem:s15], [sflag:$0x2], $0x80, s13, s14, $0xb8;
	[tilespmem:$0x16180] =	vst v63  }
0x43: {  	_ =	swait.ge [sflag:s12], $0x2800  }
0x44: {  	s17 =	sadd.s32 $0x1, s17;
	[sflag:s12] =	ssyncset.done $0x0  }
0x45: {  	p0 =	sne.s32 s17, s8;
	[sflag:s12] =	ssyncadd.s32 $0xFFFFD800  }
.Ltmp1:
0x46: {  	[bflag:$0x0] =	sbarrier.arrive $0xFFFF;
	(pc) =	sbr.rel @p0 .LBB2_1-.Ltmp1, $4  }
0x47: {  	[hbm:s7], [sflag:s6] =	dma.local [spmem:s11], $0x2780  }
0x48: {  	_ =	swait.ge [sflag:s12], $0x2780  }
0x49: {  	[sflag:s12] =	ssyncset.done $0x0  }
0x4a: {  	[sflag:s12] =	ssyncadd.s32 $0xFFFFD880  }
0x4b: {  	_ =	sfence.sel $0x180000  }
0x4c: {  	[bflag:$0x0] =	sbarrier.arrive $0xFFFF  }
0x4d: {  	p0 =	sne.s32 s0, $0x0;
	_ =	strace $0x9000004D  }
0x4e: {  	s0 =	sadd.s32 @!p0 $0x100000, s2;
	[bflag:$0x2] =	sbarrier.arrive $0xFFFF  }
0x4f: {  	[sflag:s0] =	ssyncadd.tile.s32 @!p0 $0x1;
	_ =	shalt  }
.Lfunc_end2:
_tile_overlayer_lowered:
.L_overlay_start_2:
0x50: {  	(tag) =	ssettag $0x2  }
0x51: {  	s0 =	rddreg [dreg:$0x0];
	s2 =	stileid.u32  }
0x52: {  	s1 =	rddreg [dreg:$0x1];
	p0 =	sne.s32 s2, $0x0  }
0x53: {  	s3 =	rddreg [dreg:$0x2];
	[bflag:$0x3] =	sbarrier.arrive $0xFFFF;
	s2 =	simm.s32 @!p0 $0x1C02  }
0x54: {  	[timem:s3], [sflag:s2] =	dma.local @!p0 [hbm:s0], s1  }
0x55: {  	s0 =	simm.s32 @!p0 $0x2  }
0x56: {  	_ =	swait.ge @!p0 [sflag:s0], s1  }
0x57: {  	s1 =	ssub.s32 @!p0 $0x0, s1;
	[sflag:s0] =	ssyncset.done @!p0 $0x0  }
0x58: {  	[sflag:s0] =	ssyncadd.s32 @!p0 s1  }
0x59: {  	[bflag:$0x3] =	sbarrier.arrive $0xFFFF  }
0x5a: {  	_ =	shalt  }

// kernel: kernel.22.cloned.1.call-start
scs
__scs_entry_jumppad:
0x0: {  	(pc) =	sbr.rel $0x88, $3  }
0x1: {  	(tag) =	ssettag $0x0;
	lr =	simm.s32 $0x1  }
0x2: {  	[smem:$0x3F9A] =	sst lr;
	_ =	strace $0xD0000000  }
0x3: {  	_ = 	snop  }
0x4: {  	_ = 	snop  }
0x5: {  	_ = 	snop  }
0x6: {  	_ = 	snop  }
0x7: {  	_ = 	snop  }
__scs_overlays_trampoline_lowered:
0x8: {  	[smem:$0x3FA9] =	sst s0  }
0x9: {  	[smem:$0x3FAA] =	sst s1  }
0xa: {  	[smem:$0x3FAB] =	sst s2  }
0xb: {  	[smem:$0x3FAC] =	sst s3  }
0xc: {  	[smem:$0x3FAD] =	sst s4  }
0xd: {  	[smem:$0x3FAE] =	sst s5  }
0xe: {  	[smem:$0x3FAF] =	sst s6  }
0xf: {  	[smem:$0x3FB0] =	sst s7  }
0x10: {  	[smem:$0x3FB1] =	sst s8  }
0x11: {  	[smem:$0x3FB2] =	sst s9;
	s0 =	simm.s32 @!p0 $0x0  }
0x12: {  	s1 =	sld [smem:$0x3F98];
	s0 =	simm.s32 @p0 $0x1  }
0x13: {  	[smem:$0x3FB3] =	sst s0;
	s0 =	simm.s32 @!p1 $0x0  }
0x14: {  	s2 =	sld [smem:$0x3F97];
	s0 =	simm.s32 @p1 $0x1  }
0x15: {  	[smem:$0x3FB4] =	sst s0;
	s0 =	simm.s32 @!p2 $0x0  }
0x16: {  	s3 =	sld [smem:$0x3FDB];
	s0 =	simm.s32 @p2 $0x1  }
0x17: {  	s4 =	simm.s32 $0x1BF5;
	[smem:$0x3FB6] =	sst s0  }
0x18: {  	s0 =	sld [smem:$0x3F99];
	_ =	swait.ge [sflag:s4], $0x0  }
0x19: {  	s7 =	sld [smem:$0x3F9A]  }
0x1a: {  	s8 =	sadd.s32 $0xFFFFE003, lr  }
0x1b: {  	s9 =	sadd.s32 $0xFFFFFEF7, lr;
	s5 =	simm.s32 $0xFFFFFFFF;
	p2 =	slt.u32 s8, $0xFFFFF086  }
0x1c: {  	p1 =	slt.u32 s9, $0xF7A;
	s5 =	simm.s32 @!p2 $0x0  }
0x1d: {  	s5 =	simm.s32 @p1 $0x1;
	p0 =	seq.s32 s7, s2  }
0x1e: {  	s7 =	smul.u32 @!p0 $0xF7A, s2;
	p2 =	seq.s32 @!p0 s5, $0x0  }
0x1f: {  	s9 =	smul.u32 $0xF7A, s1;
	s8 =	simm.s32 @!p0 $0x1BF5;
	p2 =	por !p2, p0  }
0x20: {  	[sflag:s8] =	ssyncset.s32 @!p0 $0xFFFFF086;
	s6 =	sadd.s32 @!p0 s3, s7;
	s7 =	simm.s32 @!p0 $0x108  }
0x21: {  	s3 =	sadd.s32 s3, s9;
	s6 =	sadd.s32 @!p0 $0x88, s6;
	s7 =	simm.s32 @p2 $0x1082  }
0x22: {  	[simem:s7], [sflag:s8] =	dma.local @!p0 [hbm:s6], $0xF7A  }
0x23: {  	s9 =	sor.u32 $0xD0000000, s2;
	s6 =	simm.s32 $0x108;
	_ =	swait.ge @!p0 [sflag:s8], $0x0  }
0x24: {  	s3 =	sadd.s32 $0x88, s3;
	s6 =	simm.s32 @!p1 $0x1082;
	[sflag:s4] =	ssyncset.s32 $0xFFFFF086  }
0x25: {  	[simem:s6], [sflag:s4] =	dma.local [hbm:s3], $0xF7A  }
0x26: {  	[smem:$0x3F9A] =	sst s1;
	(tag) =	ssettag s2;
	_ =	strace s9  }
0x27: {  	s1 =	sld [smem:$0x3FAA]  }
0x28: {  	s2 =	sld [smem:$0x3FAB]  }
0x29: {  	s4 =	sld [smem:$0x3FAD]  }
0x2a: {  	p0 =	seq.s32 s5, $0x0;
	s5 =	sld [smem:$0x3FAE]  }
0x2b: {  	s6 =	sld [smem:$0x3FAF]  }
0x2c: {  	s7 =	sld [smem:$0x3FB0]  }
0x2d: {  	s3 =	simm.s32 $0x108;
	s8 =	sld [smem:$0x3FB1]  }
0x2e: {  	s3 =	simm.s32 @!p0 $0x1082;
	s9 =	sld [smem:$0x3FB2]  }
0x2f: {  	lr =	sadd.s32 s0, s3;
	s0 =	sld [smem:$0x3FA9]  }
0x30: {  	s3 =	sld [smem:$0x3FAC]  }
0x31: {  	[smem:$0x3FB5] =	sst s10  }
0x32: {  	s10 =	sld [smem:$0x3FB3];
	_ =	sdelay $0x3  }
0x33: {  	p0 =	seq.s32 s10, $0x1;
	s10 =	sld [smem:$0x3FB5];
	_ =	sdelay $0x3  }
0x34: {  	[smem:$0x3FB5] =	sst s10  }
0x35: {  	s10 =	sld [smem:$0x3FB4];
	_ =	sdelay $0x3  }
0x36: {  	p1 =	seq.s32 s10, $0x1;
	s10 =	sld [smem:$0x3FB5];
	_ =	sdelay $0x3  }
0x37: {  	[smem:$0x3FB5] =	sst s10  }
0x38: {  	s10 =	sld [smem:$0x3FB6]  }
0x39: {  	_ = 	snop;
	(pc) =	sbr.ind lr, $3  }
0x3a: {  	_ = 	snop  }
0x3b: {  	_ = 	snop  }
0x3c: {  	p2 =	seq.s32 s10, $0x1;
	s10 =	sld [smem:$0x3FB5]  }
0x3d: {  	_ =	shalt  }
0x3e: {  	_ =	shalt  }
0x3f: {  	_ =	shalt  }
0x40: {  	_ =	shalt  }
0x41: {  	_ =	shalt  }
0x42: {  	_ =	shalt  }
0x43: {  	_ =	shalt  }
0x44: {  	_ =	shalt  }
0x45: {  	_ =	shalt  }
0x46: {  	_ =	shalt  }
0x47: {  	_ =	shalt  }
0x48: {  	_ =	shalt  }
0x49: {  	_ =	shalt  }
0x4a: {  	_ =	shalt  }
0x4b: {  	_ =	shalt  }
0x4c: {  	_ =	shalt  }
0x4d: {  	_ =	shalt  }
0x4e: {  	_ =	shalt  }
0x4f: {  	_ =	shalt  }
0x50: {  	_ =	shalt  }
0x51: {  	_ =	shalt  }
0x52: {  	_ =	shalt  }
0x53: {  	_ =	shalt  }
0x54: {  	_ =	shalt  }
0x55: {  	_ =	shalt  }
0x56: {  	_ =	shalt  }
0x57: {  	_ =	shalt  }
0x58: {  	_ =	shalt  }
0x59: {  	_ =	shalt  }
0x5a: {  	_ =	shalt  }
0x5b: {  	_ =	shalt  }
0x5c: {  	_ =	shalt  }
0x5d: {  	_ =	shalt  }
0x5e: {  	_ =	shalt  }
0x5f: {  	_ =	shalt  }
0x60: {  	_ =	shalt  }
0x61: {  	_ =	shalt  }
0x62: {  	_ =	shalt  }
0x63: {  	_ =	shalt  }
0x64: {  	_ =	shalt  }
0x65: {  	_ =	shalt  }
0x66: {  	_ =	shalt  }
0x67: {  	_ =	shalt  }
0x68: {  	_ =	shalt  }
0x69: {  	_ =	shalt  }
0x6a: {  	_ =	shalt  }
0x6b: {  	_ =	shalt  }
0x6c: {  	_ =	shalt  }
0x6d: {  	_ =	shalt  }
0x6e: {  	_ =	shalt  }
0x6f: {  	_ =	shalt  }
0x70: {  	_ =	shalt  }
0x71: {  	_ =	shalt  }
0x72: {  	_ =	shalt  }
0x73: {  	_ =	shalt  }
0x74: {  	_ =	shalt  }
0x75: {  	_ =	shalt  }
0x76: {  	_ =	shalt  }
0x77: {  	_ =	shalt  }
0x78: {  	_ =	shalt  }
0x79: {  	_ =	shalt  }
0x7a: {  	_ =	shalt  }
0x7b: {  	_ =	shalt  }
0x7c: {  	_ =	shalt  }
0x7d: {  	_ =	shalt  }
0x7e: {  	_ =	shalt  }
0x7f: {  	_ =	shalt  }
0x80: {  	_ =	shalt  }
0x81: {  	_ =	shalt  }
0x82: {  	_ =	shalt  }
0x83: {  	_ =	shalt  }
0x84: {  	_ =	shalt  }
0x85: {  	_ =	shalt  }
0x86: {  	_ =	shalt  }
0x87: {  	_ =	shalt  }
.Lfunc_end0:
.L_simem_size_0:
called_computation.3_lowered:
.L_overlay_start_0:
0x88: {  	s2 =	sld [smem:$0x3FD9]  }
0x89: {  	s3 =	sld [smem:$0x3FFE];
	_ =	sdelay $0x1  }
0x8a: {  	s1 =	srdreg.scid  }
0x8b: {  	s0 =	sand.u32 $0x1, s1  }
0x8c: {  	s17 =	sshll.u32 s0, $0xA;
	s2 =	sadd.s32 s3, s2  }
0x8d: {  	s2 =	sadd.s32 s2, s17  }
0x8e: {  	[smem:$0x3FC1] =	sst s2  }
0x8f: {  	_ = 	snop  }
0x90: {  	s2 =	sld [smem:$0x3FD0];
	(tm) =	ssettm $0x1  }
0x91: {  	s18 =	sld [smem:$0x3FFB];
	_ =	sdelay $0x3  }
0x92: {  	_ =	strace s18  }
0x93: {  	s3 =	sld [smem:$0x3FFC];
	_ =	sdelay $0x3  }
0x94: {  	_ =	strace s3  }
0x95: {  	s3 =	sld [smem:$0x3FFD];
	_ =	sdelay $0x3  }
0x96: {  	_ =	strace s3  }
0x97: {  	_ =	strace $0x8FFFFFFF  }
0x98: {  	s19 =	sld [smem:$0x3FDB];
	_ =	sdelay $0x1  }
0x99: {  	s4 =	simm.s32 $_scs_section_size  }
0x9a: {  	s5 =	simm.s32 $_size__tile_overlayer_lowered;
	s6 =	simm.s32 $_tile_overlayer_lowered  }
0x9b: {  	s22 =	simm.s32 $0x1BFF;
	s21 =	sshll.u32 s6, $0x1;
	s3 =	sadd.s32 s4, s19  }
0x9c: {  	s7 =	simm.s32 $0x0;
	s20 =	sshll.u32 s5, $0x1;
	s5 =	sadd.s32 s21, s3  }
0x9d: {  	[timem:s7], [sflag:s22] =	dma.local [hbm:s5], s20  }
0x9e: {  	_ =	swait.ge [sflag:s22], s20  }
0x9f: {  	s4 =	ssub.s32 $0x0, s20;
	[sflag:s22] =	ssyncset.done $0x0  }
0xa0: {  	[sflag:s22] =	ssyncadd.s32 s4;
	_ =	sdelay $0x1  }
0xa1: {  	s23 =	simm.s32 $0x1B8B  }
0xa2: {  	_ =	swait.ge [sflag:s23], $0x1  }
0xa3: {  	[sflag:s23] =	ssyncset.done $0x0  }
0xa4: {  	s25 =	simm.s32 $0x1B8E;
	s24 =	sld [smem:$0x3FFE];
	[sflag:s23] =	ssyncadd.s32 $0xFFFFFFFF  }
0xa5: {  	s26 =	simm.s32 $execute0_lowered;
	[smem:$0x3FD2] =	sst s25  }
0xa6: {  	s5 =	sshll.u32 s26, $0x1;
	_ =	strace $0x8000004F;
	[dreg:$0x1] =	wrdreg $0xFFFFFFFF  }
0xa7: {  	s28 =	simm.s32 $_size_execute0_lowered;
	s3 =	sadd.s32 s3, s5;
	[dreg:$0x0] =	wrdreg $0x0  }
0xa8: {  	s5 =	sshll.u32 s28, $0x1;
	[dreg:$0x2] =	wrdreg s3  }
0xa9: {  	[dreg:$0x3] =	wrdreg s5  }
0xaa: {  	[dreg:$0x4] =	wrdreg $0xC0  }
0xab: {  	_ =	task [dreg:s7], $0x5FFFF  }
0xac: {  	[dreg:$0x1] =	wrdreg $0xFFFFFFFF  }
0xad: {  	[dreg:$0x0] =	wrdreg $0x60  }
0xae: {  	[dreg:$0x2] =	wrdreg s2  }
0xaf: {  	[dreg:$0x3] =	wrdreg s24  }
0xb0: {  	[dreg:$0x4] =	wrdreg $0x29000  }
0xb1: {  	[dreg:$0x5] =	wrdreg $0x9  }
0xb2: {  	_ =	task.clear_ibuf [dreg:s7], $0x6FFFF;
	_ =	strace $0x9000004F  }
0xb3: {  	s29 =	simm.s32 $0x9;
	_ =	strace $0x80000051  }
0xb4: {  	_ =	swait.ge [sflag:s29], $0x1  }
0xb5: {  	[sflag:s29] =	ssyncadd.s32 $0xFFFFFFFF  }
0xb6: {  	_ =	strace $0x90000051  }
0xb7: {  	_ =	sfence  }
0xb8: {  	s30 =	sld [smem:$0x0];
	_ =	sdelay $0x2  }
0xb9: {  	s31 =	sshll.u32 s1, $0xD;
	s1 =	sshrl.u32 s1, $0x2  }
0xba: {  	s3 =	sand.u32 $0x4000, s31;
	s1 =	sadd.s32 s1, s30  }
0xbb: {  	s0 =	sor.u32 s3, s0;
	s1 =	sshll.u32 s1, $0x11  }
0xbc: {  	s0 =	sor.u32 s1, s0  }
0xbd: {  	s0 =	sadd.s32 $0x8F2B, s0  }
0xbe: {  	[sflag:s0] =	ssyncadd.remote.s32 $0x1  }
0xbf: {  	_ =	sfence.sel $0xFFFF  }
0xc0: {  	[dreg:$0x0] =	wrdreg $0xFFFFFFFF;
	(pc) =	sbr.abs _section_cstart, $3  }
0xc1: {  	[dreg:$0x1] =	wrdreg $0xFFFFFFFF  }
0xc2: {  	_ =	task.clear_ibuf [dreg:s7], $0x2FFFF;
	_ =	strace $0x9FFFFFFF  }
0xc3: {  	(tm) =	ssettm $0x7FFFFFFF  }
tec
execute0_lowered:
.L_overlay_start_1:
0x0: {  	(tag) =	ssettag $0x1  }
0x1: {  	s1 =	rddreg [dreg:$0x0]  }
0x2: {  	s2 =	srdreg.scid;
	s5 =	rddreg [dreg:$0x1]  }
0x3: {  	s0 =	stileid.u32;
	s3 =	rddreg [dreg:$0x2];
	s4 =	simm.s32 $0x0  }
0x4: {  	s13 =	simm.s32 $0x80;
	s14 =	simm.s32 $0x50;
	s15 =	simm.s32 $0x100  }
0x5: {  	s16 =	simm.s32 $0x1;
	s17 =	simm.s32 $0x0;
	s7 =	smul.u32 $0x4E20, s0  }
0x6: {  	s6 =	sand.u32 $0x1, s2;
	s2 =	rddreg [dreg:$0x3];
	s9 =	smul.u32 $0x278, s0  }
0x7: {  	[smem:$0x7FF] =	sst s4;
	s31 =	sshll.u32 s0, $0x6;
	s8 =	smul.u32 $0x2710, s6  }
0x8: {  	s28 =	smul.u32 $0x138800, s6;
	_ =	strace $0x80000050;
	s6 =	ssub.s32 $0x2, s6  }
0x9: {  	s26 =	smin.u32 s9, $0x2498;
	s30 =	sshrl.u32 s6, $0x1;
	s7 =	sadd.s32 s8, s7  }
0xa: {  	s10 =	sshll.u32 s26, $0x7;
	s8 =	sshll.u32 s26, $0x4;
	s9 =	ssub.s32 s6, s30  }
0xb: {  	s6 =	sor.u32 $0x1C02, s31;
	s7 =	sshrl.u32 s7, $0x3;
	s29 =	sadd.s32 s28, s10  }
0xc: {  	s8 =	sadd.s32 s8, s5;
	s11 =	sadd.s32 s7, s5;
	s7 =	sshrl.u32 s29, $0x3  }
0xd: {  	s12 =	sadd.s32 s10, s3;
	s7 =	sadd.s32 s7, s5;
	s5 =	sadd.s32 $0x65600, s8  }
0xe: {  	s8 =	smax.u32 s9, $0x1;
	s9 =	sadd.s32 $0xD000, s11;
	s10 =	sadd.s32 $0x3200, s11  }
0xf: {  	s11 =	sshrl.u32 s12, $0x3;
	s12 =	simm.s32 $0x2;
	s7 =	sadd.s32 $0x8C800, s7  }
.LBB2_1:
0x10: {  	[spmem:s11], [sflag:s6] =	dma.local [hbm:s5], $0x2780  }
0x11: {  	_ =	swait.ge [sflag:s12], $0x2780  }
0x12: {  	[sflag:s12] =	ssyncset.done $0x0  }
0x13: {  	[sflag:s12] =	ssyncadd.s32 $0xFFFFD880  }
0x14: {  	s18 =	sadd.s32 $0x0, s10;
	[bflag:$0x0] =	sbarrier.arrive $0xFFFF  }
0x15: {  	[tilespmem:s4], [sflag:$0x2] =	stream.linear.gather [hbm4b:s18+s4], $0x50, $0x38;
	[tilespmem:$0x16180] =	vst v63  }
0x16: {  	_ =	swait.ge [sflag:s12], $0x50  }
0x17: {  	[sflag:s12] =	ssyncset.done $0x0  }
0x18: {  	s31 =	sadd.s32 $0x0, s9;
	[sflag:s12] =	ssyncadd.s32 $0xFFFFFFB0  }
0x19: {  	[tilespmem:s13], [sflag:$0x2] =	stream.linear.gather [hbm4b:s31+s4], $0x50, $0x38;
	[tilespmem:$0x16180] =	vst v63  }
0x1a: {  	_ =	swait.ge [sflag:s12], $0x50  }
0x1b: {  	[sflag:s12] =	ssyncset.done $0x0  }
0x1c: {  	[sflag:s12] =	ssyncadd.s32 $0xFFFFFFB0  }
0x1d: {  	[tilespmem:s15], [sflag:$0x1] =	stream.indirect.gather [hbm4b:s1+s14], $0x80, s4, s14, $0xb8;
	[tilespmem:$0x16180] =	vst v63  }
0x1e: {  	_ =	swait.ge [sflag:s16], $0x2800  }
0x1f: {  	[sflag:s16] =	ssyncset.done $0x0  }
0x20: {  	[sflag:s16] =	ssyncadd.s32 $0xFFFFD800  }
0x21: {  	[spmem:s3] =	stream.indirect.scatter.add.f32 [tilespmem:s15], [sflag:$0x2], $0x80, s13, s14, $0xb8;
	[tilespmem:$0x16180] =	vst v63  }
0x22: {  	_ =	swait.ge [sflag:s12], $0x2800  }
0x23: {  	s19 =	simm.s32 $0x14;
	s18 =	simm.s32 $0xA;
	[sflag:s12] =	ssyncset.done $0x0  }
.LBB2_2:
0x24: {  	s20 =	sadd.s32 s18, s10  }
0x25: {  	[sflag:s12] =	ssyncadd.s32 $0xFFFFD800;
	s21 =	smov.u32 s19;
	s22 =	sadd.s32 $0xA, s19  }
0x26: {  	[tilespmem:s4], [sflag:$0x2] =	stream.linear.gather [hbm4b:s20+s4], $0x50, $0x38;
	[tilespmem:$0x16180] =	vst v63  }
0x27: {  	p0 =	sne.s32 s19, $0x4D8;
	_ =	swait.ge [sflag:s12], $0x50  }
0x28: {  	[sflag:s12] =	ssyncset.done $0x0  }
0x29: {  	s19 =	sadd.s32 s18, s9;
	s18 =	smov.u32 s21;
	[sflag:s12] =	ssyncadd.s32 $0xFFFFFFB0  }
0x2a: {  	[tilespmem:s13], [sflag:$0x2] =	stream.linear.gather [hbm4b:s19+s4], $0x50, $0x38;
	[tilespmem:$0x16180] =	vst v63  }
0x2b: {  	_ =	swait.ge [sflag:s12], $0x50  }
0x2c: {  	[sflag:s12] =	ssyncset.done $0x0  }
0x2d: {  	[sflag:s12] =	ssyncadd.s32 $0xFFFFFFB0  }
0x2e: {  	[tilespmem:s15], [sflag:$0x1] =	stream.indirect.gather [hbm4b:s1+s14], $0x80, s4, s14, $0xb8;
	[tilespmem:$0x16180] =	vst v63  }
0x2f: {  	_ =	swait.ge [sflag:s16], $0x2800  }
.Ltmp0:
0x30: {  	[sflag:s16] =	ssyncset.done $0x0;
	(pc) =	sbr.rel @p0 .LBB2_2-.Ltmp0, $4  }
0x31: {  	[sflag:s16] =	ssyncadd.s32 $0xFFFFD800  }
0x32: {  	[spmem:s3] =	stream.indirect.scatter.add.f32 [tilespmem:s15], [sflag:$0x2], $0x80, s13, s14, $0xb8;
	[tilespmem:$0x16180] =	vst v63  }
0x33: {  	_ =	swait.ge [sflag:s12], $0x2800  }
0x34: {  	s19 =	smov.u32 s22;
	[sflag:s12] =	ssyncset.done $0x0  }
0x35: {  	s19 =	sadd.s32 s18, s10;
	[sflag:s12] =	ssyncadd.s32 $0xFFFFD800  }
0x36: {  	[tilespmem:s4], [sflag:$0x2] =	stream.linear.gather [hbm4b:s19+s4], $0x50, $0x38;
	[tilespmem:$0x16180] =	vst v63  }
0x37: {  	_ =	swait.ge [sflag:s12], $0x50  }
0x38: {  	[sflag:s12] =	ssyncset.done $0x0  }
0x39: {  	s31 =	sadd.s32 s18, s9;
	[sflag:s12] =	ssyncadd.s32 $0xFFFFFFB0  }
0x3a: {  	[tilespmem:s13], [sflag:$0x2] =	stream.linear.gather [hbm4b:s31+s4], $0x50, $0x38;
	[tilespmem:$0x16180] =	vst v63  }
0x3b: {  	_ =	swait.ge [sflag:s12], $0x50  }
0x3c: {  	[sflag:s12] =	ssyncset.done $0x0  }
0x3d: {  	[sflag:s12] =	ssyncadd.s32 $0xFFFFFFB0  }
0x3e: {  	[tilespmem:s15], [sflag:$0x1] =	stream.indirect.gather [hbm4b:s1+s14], $0x80, s4, s14, $0xb8;
	[tilespmem:$0x16180] =	vst v63  }
0x3f: {  	_ =	swait.ge [sflag:s16], $0x2800  }
0x40: {  	[sflag:s16] =	ssyncset.done $0x0  }
0x41: {  	[sflag:s16] =	ssyncadd.s32 $0xFFFFD800  }
0x42: {  	[spmem:s3] =	stream.indirect.scatter.add.f32 [tilespmem:s15], [sflag:$0x2], $0x80, s13, s14, $0xb8;
	[tilespmem:$0x16180] =	vst v63  }
0x43: {  	_ =	swait.ge [sflag:s12], $0x2800  }
0x44: {  	s17 =	sadd.s32 $0x1, s17;
	[sflag:s12] =	ssyncset.done $0x0  }
0x45: {  	p0 =	sne.s32 s17, s8;
	[sflag:s12] =	ssyncadd.s32 $0xFFFFD800  }
.Ltmp1:
0x46: {  	[bflag:$0x0] =	sbarrier.arrive $0xFFFF;
	(pc) =	sbr.rel @p0 .LBB2_1-.Ltmp1, $4  }
0x47: {  	[hbm:s7], [sflag:s6] =	dma.local [spmem:s11], $0x2780  }
0x48: {  	_ =	swait.ge [sflag:s12], $0x2780  }
0x49: {  	[sflag:s12] =	ssyncset.done $0x0  }
0x4a: {  	[sflag:s12] =	ssyncadd.s32 $0xFFFFD880  }
0x4b: {  	_ =	sfence.sel $0x180000  }
0x4c: {  	[bflag:$0x0] =	sbarrier.arrive $0xFFFF  }
0x4d: {  	p0 =	sne.s32 s0, $0x0;
	_ =	strace $0x90000050  }
0x4e: {  	s0 =	sadd.s32 @!p0 $0x100000, s2;
	[bflag:$0x2] =	sbarrier.arrive $0xFFFF  }
0x4f: {  	[sflag:s0] =	ssyncadd.tile.s32 @!p0 $0x1;
	_ =	shalt  }
.Lfunc_end2:
_tile_overlayer_lowered:
.L_overlay_start_2:
0x50: {  	(tag) =	ssettag $0x2  }
0x51: {  	s0 =	rddreg [dreg:$0x0];
	s2 =	stileid.u32  }
0x52: {  	s1 =	rddreg [dreg:$0x1];
	p0 =	sne.s32 s2, $0x0  }
0x53: {  	s3 =	rddreg [dreg:$0x2];
	[bflag:$0x3] =	sbarrier.arrive $0xFFFF;
	s2 =	simm.s32 @!p0 $0x1C02  }
0x54: {  	[timem:s3], [sflag:s2] =	dma.local @!p0 [hbm:s0], s1  }
0x55: {  	s0 =	simm.s32 @!p0 $0x2  }
0x56: {  	_ =	swait.ge @!p0 [sflag:s0], s1  }
0x57: {  	s1 =	ssub.s32 @!p0 $0x0, s1;
	[sflag:s0] =	ssyncset.done @!p0 $0x0  }
0x58: {  	[sflag:s0] =	ssyncadd.s32 @!p0 s1  }
0x59: {  	[bflag:$0x3] =	sbarrier.arrive $0xFFFF  }
0x5a: {  	_ =	shalt  }

// kernel: kernel.25.cloned.1.call-start
scs
__scs_entry_jumppad:
0x0: {  	(pc) =	sbr.rel $0x88, $3  }
0x1: {  	(tag) =	ssettag $0x0;
	lr =	simm.s32 $0x1  }
0x2: {  	[smem:$0x3F9A] =	sst lr;
	_ =	strace $0xD0000000  }
0x3: {  	_ = 	snop  }
0x4: {  	_ = 	snop  }
0x5: {  	_ = 	snop  }
0x6: {  	_ = 	snop  }
0x7: {  	_ = 	snop  }
__scs_overlays_trampoline_lowered:
0x8: {  	[smem:$0x3FA9] =	sst s0  }
0x9: {  	[smem:$0x3FAA] =	sst s1  }
0xa: {  	[smem:$0x3FAB] =	sst s2  }
0xb: {  	[smem:$0x3FAC] =	sst s3  }
0xc: {  	[smem:$0x3FAD] =	sst s4  }
0xd: {  	[smem:$0x3FAE] =	sst s5  }
0xe: {  	[smem:$0x3FAF] =	sst s6  }
0xf: {  	[smem:$0x3FB0] =	sst s7  }
0x10: {  	[smem:$0x3FB1] =	sst s8  }
0x11: {  	[smem:$0x3FB2] =	sst s9;
	s0 =	simm.s32 @!p0 $0x0  }
0x12: {  	s1 =	sld [smem:$0x3F98];
	s0 =	simm.s32 @p0 $0x1  }
0x13: {  	[smem:$0x3FB3] =	sst s0;
	s0 =	simm.s32 @!p1 $0x0  }
0x14: {  	s2 =	sld [smem:$0x3F97];
	s0 =	simm.s32 @p1 $0x1  }
0x15: {  	[smem:$0x3FB4] =	sst s0;
	s0 =	simm.s32 @!p2 $0x0  }
0x16: {  	s3 =	sld [smem:$0x3FDB];
	s0 =	simm.s32 @p2 $0x1  }
0x17: {  	s4 =	simm.s32 $0x1BF5;
	[smem:$0x3FB6] =	sst s0  }
0x18: {  	s0 =	sld [smem:$0x3F99];
	_ =	swait.ge [sflag:s4], $0x0  }
0x19: {  	s7 =	sld [smem:$0x3F9A]  }
0x1a: {  	s8 =	sadd.s32 $0xFFFFE003, lr  }
0x1b: {  	s9 =	sadd.s32 $0xFFFFFEF7, lr;
	s5 =	simm.s32 $0xFFFFFFFF;
	p2 =	slt.u32 s8, $0xFFFFF086  }
0x1c: {  	p1 =	slt.u32 s9, $0xF7A;
	s5 =	simm.s32 @!p2 $0x0  }
0x1d: {  	s5 =	simm.s32 @p1 $0x1;
	p0 =	seq.s32 s7, s2  }
0x1e: {  	s7 =	smul.u32 @!p0 $0xF7A, s2;
	p2 =	seq.s32 @!p0 s5, $0x0  }
0x1f: {  	s9 =	smul.u32 $0xF7A, s1;
	s8 =	simm.s32 @!p0 $0x1BF5;
	p2 =	por !p2, p0  }
0x20: {  	[sflag:s8] =	ssyncset.s32 @!p0 $0xFFFFF086;
	s6 =	sadd.s32 @!p0 s3, s7;
	s7 =	simm.s32 @!p0 $0x108  }
0x21: {  	s3 =	sadd.s32 s3, s9;
	s6 =	sadd.s32 @!p0 $0x88, s6;
	s7 =	simm.s32 @p2 $0x1082  }
0x22: {  	[simem:s7], [sflag:s8] =	dma.local @!p0 [hbm:s6], $0xF7A  }
0x23: {  	s9 =	sor.u32 $0xD0000000, s2;
	s6 =	simm.s32 $0x108;
	_ =	swait.ge @!p0 [sflag:s8], $0x0  }
0x24: {  	s3 =	sadd.s32 $0x88, s3;
	s6 =	simm.s32 @!p1 $0x1082;
	[sflag:s4] =	ssyncset.s32 $0xFFFFF086  }
0x25: {  	[simem:s6], [sflag:s4] =	dma.local [hbm:s3], $0xF7A  }
0x26: {  	[smem:$0x3F9A] =	sst s1;
	(tag) =	ssettag s2;
	_ =	strace s9  }
0x27: {  	s1 =	sld [smem:$0x3FAA]  }
0x28: {  	s2 =	sld [smem:$0x3FAB]  }
0x29: {  	s4 =	sld [smem:$0x3FAD]  }
0x2a: {  	p0 =	seq.s32 s5, $0x0;
	s5 =	sld [smem:$0x3FAE]  }
0x2b: {  	s6 =	sld [smem:$0x3FAF]  }
0x2c: {  	s7 =	sld [smem:$0x3FB0]  }
0x2d: {  	s3 =	simm.s32 $0x108;
	s8 =	sld [smem:$0x3FB1]  }
0x2e: {  	s3 =	simm.s32 @!p0 $0x1082;
	s9 =	sld [smem:$0x3FB2]  }
0x2f: {  	lr =	sadd.s32 s0, s3;
	s0 =	sld [smem:$0x3FA9]  }
0x30: {  	s3 =	sld [smem:$0x3FAC]  }
0x31: {  	[smem:$0x3FB5] =	sst s10  }
0x32: {  	s10 =	sld [smem:$0x3FB3];
	_ =	sdelay $0x3  }
0x33: {  	p0 =	seq.s32 s10, $0x1;
	s10 =	sld [smem:$0x3FB5];
	_ =	sdelay $0x3  }
0x34: {  	[smem:$0x3FB5] =	sst s10  }
0x35: {  	s10 =	sld [smem:$0x3FB4];
	_ =	sdelay $0x3  }
0x36: {  	p1 =	seq.s32 s10, $0x1;
	s10 =	sld [smem:$0x3FB5];
	_ =	sdelay $0x3  }
0x37: {  	[smem:$0x3FB5] =	sst s10  }
0x38: {  	s10 =	sld [smem:$0x3FB6]  }
0x39: {  	_ = 	snop;
	(pc) =	sbr.ind lr, $3  }
0x3a: {  	_ = 	snop  }
0x3b: {  	_ = 	snop  }
0x3c: {  	p2 =	seq.s32 s10, $0x1;
	s10 =	sld [smem:$0x3FB5]  }
0x3d: {  	_ =	shalt  }
0x3e: {  	_ =	shalt  }
0x3f: {  	_ =	shalt  }
0x40: {  	_ =	shalt  }
0x41: {  	_ =	shalt  }
0x42: {  	_ =	shalt  }
0x43: {  	_ =	shalt  }
0x44: {  	_ =	shalt  }
0x45: {  	_ =	shalt  }
0x46: {  	_ =	shalt  }
0x47: {  	_ =	shalt  }
0x48: {  	_ =	shalt  }
0x49: {  	_ =	shalt  }
0x4a: {  	_ =	shalt  }
0x4b: {  	_ =	shalt  }
0x4c: {  	_ =	shalt  }
0x4d: {  	_ =	shalt  }
0x4e: {  	_ =	shalt  }
0x4f: {  	_ =	shalt  }
0x50: {  	_ =	shalt  }
0x51: {  	_ =	shalt  }
0x52: {  	_ =	shalt  }
0x53: {  	_ =	shalt  }
0x54: {  	_ =	shalt  }
0x55: {  	_ =	shalt  }
0x56: {  	_ =	shalt  }
0x57: {  	_ =	shalt  }
0x58: {  	_ =	shalt  }
0x59: {  	_ =	shalt  }
0x5a: {  	_ =	shalt  }
0x5b: {  	_ =	shalt  }
0x5c: {  	_ =	shalt  }
0x5d: {  	_ =	shalt  }
0x5e: {  	_ =	shalt  }
0x5f: {  	_ =	shalt  }
0x60: {  	_ =	shalt  }
0x61: {  	_ =	shalt  }
0x62: {  	_ =	shalt  }
0x63: {  	_ =	shalt  }
0x64: {  	_ =	shalt  }
0x65: {  	_ =	shalt  }
0x66: {  	_ =	shalt  }
0x67: {  	_ =	shalt  }
0x68: {  	_ =	shalt  }
0x69: {  	_ =	shalt  }
0x6a: {  	_ =	shalt  }
0x6b: {  	_ =	shalt  }
0x6c: {  	_ =	shalt  }
0x6d: {  	_ =	shalt  }
0x6e: {  	_ =	shalt  }
0x6f: {  	_ =	shalt  }
0x70: {  	_ =	shalt  }
0x71: {  	_ =	shalt  }
0x72: {  	_ =	shalt  }
0x73: {  	_ =	shalt  }
0x74: {  	_ =	shalt  }
0x75: {  	_ =	shalt  }
0x76: {  	_ =	shalt  }
0x77: {  	_ =	shalt  }
0x78: {  	_ =	shalt  }
0x79: {  	_ =	shalt  }
0x7a: {  	_ =	shalt  }
0x7b: {  	_ =	shalt  }
0x7c: {  	_ =	shalt  }
0x7d: {  	_ =	shalt  }
0x7e: {  	_ =	shalt  }
0x7f: {  	_ =	shalt  }
0x80: {  	_ =	shalt  }
0x81: {  	_ =	shalt  }
0x82: {  	_ =	shalt  }
0x83: {  	_ =	shalt  }
0x84: {  	_ =	shalt  }
0x85: {  	_ =	shalt  }
0x86: {  	_ =	shalt  }
0x87: {  	_ =	shalt  }
.Lfunc_end0:
.L_simem_size_0:
called_computation.4_lowered:
.L_overlay_start_0:
0x88: {  	s2 =	sld [smem:$0x3FD9]  }
0x89: {  	s3 =	sld [smem:$0x3FFE];
	_ =	sdelay $0x1  }
0x8a: {  	s1 =	srdreg.scid  }
0x8b: {  	s0 =	sand.u32 $0x1, s1  }
0x8c: {  	s17 =	sshll.u32 s0, $0xA;
	s2 =	sadd.s32 s3, s2  }
0x8d: {  	s2 =	sadd.s32 s2, s17  }
0x8e: {  	[smem:$0x3FC1] =	sst s2  }
0x8f: {  	_ = 	snop  }
0x90: {  	s2 =	sld [smem:$0x3FD0];
	(tm) =	ssettm $0x1  }
0x91: {  	s18 =	sld [smem:$0x3FFB];
	_ =	sdelay $0x3  }
0x92: {  	_ =	strace s18  }
0x93: {  	s3 =	sld [smem:$0x3FFC];
	_ =	sdelay $0x3  }
0x94: {  	_ =	strace s3  }
0x95: {  	s3 =	sld [smem:$0x3FFD];
	_ =	sdelay $0x3  }
0x96: {  	_ =	strace s3  }
0x97: {  	_ =	strace $0x8FFFFFFF  }
0x98: {  	s19 =	sld [smem:$0x3FDB];
	_ =	sdelay $0x1  }
0x99: {  	s4 =	simm.s32 $_scs_section_size  }
0x9a: {  	s5 =	simm.s32 $_size__tile_overlayer_lowered;
	s6 =	simm.s32 $_tile_overlayer_lowered  }
0x9b: {  	s22 =	simm.s32 $0x1BFF;
	s21 =	sshll.u32 s6, $0x1;
	s3 =	sadd.s32 s4, s19  }
0x9c: {  	s7 =	simm.s32 $0x0;
	s20 =	sshll.u32 s5, $0x1;
	s5 =	sadd.s32 s21, s3  }
0x9d: {  	[timem:s7], [sflag:s22] =	dma.local [hbm:s5], s20  }
0x9e: {  	_ =	swait.ge [sflag:s22], s20  }
0x9f: {  	s4 =	ssub.s32 $0x0, s20;
	[sflag:s22] =	ssyncset.done $0x0  }
0xa0: {  	[sflag:s22] =	ssyncadd.s32 s4;
	_ =	sdelay $0x1  }
0xa1: {  	s23 =	simm.s32 $0x1B8B  }
0xa2: {  	_ =	swait.ge [sflag:s23], $0x1  }
0xa3: {  	[sflag:s23] =	ssyncset.done $0x0  }
0xa4: {  	s25 =	simm.s32 $0x1B8E;
	s24 =	sld [smem:$0x3FFE];
	[sflag:s23] =	ssyncadd.s32 $0xFFFFFFFF  }
0xa5: {  	s26 =	simm.s32 $execute0_lowered;
	[smem:$0x3FD2] =	sst s25  }
0xa6: {  	s5 =	sshll.u32 s26, $0x1;
	_ =	strace $0x80000052;
	[dreg:$0x1] =	wrdreg $0xFFFFFFFF  }
0xa7: {  	s28 =	simm.s32 $_size_execute0_lowered;
	s3 =	sadd.s32 s3, s5;
	[dreg:$0x0] =	wrdreg $0x0  }
0xa8: {  	s5 =	sshll.u32 s28, $0x1;
	[dreg:$0x2] =	wrdreg s3  }
0xa9: {  	[dreg:$0x3] =	wrdreg s5  }
0xaa: {  	[dreg:$0x4] =	wrdreg $0xC0  }
0xab: {  	_ =	task [dreg:s7], $0x5FFFF  }
0xac: {  	[dreg:$0x1] =	wrdreg $0xFFFFFFFF  }
0xad: {  	[dreg:$0x0] =	wrdreg $0x60  }
0xae: {  	[dreg:$0x2] =	wrdreg s2  }
0xaf: {  	[dreg:$0x3] =	wrdreg s24  }
0xb0: {  	[dreg:$0x4] =	wrdreg $0x29000  }
0xb1: {  	[dreg:$0x5] =	wrdreg $0x9  }
0xb2: {  	_ =	task.clear_ibuf [dreg:s7], $0x6FFFF;
	_ =	strace $0x90000052  }
0xb3: {  	s29 =	simm.s32 $0x9;
	_ =	strace $0x80000054  }
0xb4: {  	_ =	swait.ge [sflag:s29], $0x1  }
0xb5: {  	[sflag:s29] =	ssyncadd.s32 $0xFFFFFFFF  }
0xb6: {  	_ =	strace $0x90000054  }
0xb7: {  	_ =	sfence  }
0xb8: {  	s30 =	sld [smem:$0x0];
	_ =	sdelay $0x2  }
0xb9: {  	s31 =	sshll.u32 s1, $0xD;
	s1 =	sshrl.u32 s1, $0x2  }
0xba: {  	s3 =	sand.u32 $0x4000, s31;
	s1 =	sadd.s32 s1, s30  }
0xbb: {  	s0 =	sor.u32 s3, s0;
	s1 =	sshll.u32 s1, $0x11  }
0xbc: {  	s0 =	sor.u32 s1, s0  }
0xbd: {  	s0 =	sadd.s32 $0x8F2B, s0  }
0xbe: {  	[sflag:s0] =	ssyncadd.remote.s32 $0x1  }
0xbf: {  	_ =	sfence.sel $0xFFFF  }
0xc0: {  	[dreg:$0x0] =	wrdreg $0xFFFFFFFF;
	(pc) =	sbr.abs _section_cstart, $3  }
0xc1: {  	[dreg:$0x1] =	wrdreg $0xFFFFFFFF  }
0xc2: {  	_ =	task.clear_ibuf [dreg:s7], $0x2FFFF;
	_ =	strace $0x9FFFFFFF  }
0xc3: {  	(tm) =	ssettm $0x7FFFFFFF  }
tec
execute0_lowered:
.L_overlay_start_1:
0x0: {  	(tag) =	ssettag $0x1  }
0x1: {  	s1 =	rddreg [dreg:$0x0]  }
0x2: {  	s2 =	srdreg.scid;
	s5 =	rddreg [dreg:$0x1]  }
0x3: {  	s0 =	stileid.u32;
	s3 =	rddreg [dreg:$0x2];
	s4 =	simm.s32 $0x0  }
0x4: {  	s13 =	simm.s32 $0x80;
	s14 =	simm.s32 $0x50;
	s15 =	simm.s32 $0x100  }
0x5: {  	s16 =	simm.s32 $0x1;
	s17 =	simm.s32 $0x0;
	s7 =	smul.u32 $0x4E20, s0  }
0x6: {  	s6 =	sand.u32 $0x1, s2;
	s2 =	rddreg [dreg:$0x3];
	s9 =	smul.u32 $0x278, s0  }
0x7: {  	[smem:$0x7FF] =	sst s4;
	s31 =	sshll.u32 s0, $0x6;
	s8 =	smul.u32 $0x2710, s6  }
0x8: {  	s28 =	smul.u32 $0x138800, s6;
	_ =	strace $0x80000053;
	s6 =	ssub.s32 $0x2, s6  }
0x9: {  	s26 =	smin.u32 s9, $0x2498;
	s30 =	sshrl.u32 s6, $0x1;
	s7 =	sadd.s32 s8, s7  }
0xa: {  	s10 =	sshll.u32 s26, $0x7;
	s8 =	sshll.u32 s26, $0x4;
	s9 =	ssub.s32 s6, s30  }
0xb: {  	s6 =	sor.u32 $0x1C02, s31;
	s7 =	sshrl.u32 s7, $0x3;
	s29 =	sadd.s32 s28, s10  }
0xc: {  	s8 =	sadd.s32 s8, s5;
	s11 =	sadd.s32 s7, s5;
	s7 =	sshrl.u32 s29, $0x3  }
0xd: {  	s12 =	sadd.s32 s10, s3;
	s7 =	sadd.s32 s7, s5;
	s5 =	sadd.s32 $0x65600, s8  }
0xe: {  	s8 =	smax.u32 s9, $0x1;
	s9 =	sadd.s32 $0xD000, s11;
	s10 =	sadd.s32 $0x3200, s11  }
0xf: {  	s11 =	sshrl.u32 s12, $0x3;
	s12 =	simm.s32 $0x2;
	s7 =	sadd.s32 $0x8C800, s7  }
.LBB2_1:
0x10: {  	[spmem:s11], [sflag:s6] =	dma.local [hbm:s5], $0x2780  }
0x11: {  	_ =	swait.ge [sflag:s12], $0x2780  }
0x12: {  	[sflag:s12] =	ssyncset.done $0x0  }
0x13: {  	[sflag:s12] =	ssyncadd.s32 $0xFFFFD880  }
0x14: {  	s18 =	sadd.s32 $0x0, s10;
	[bflag:$0x0] =	sbarrier.arrive $0xFFFF  }
0x15: {  	[tilespmem:s4], [sflag:$0x2] =	stream.linear.gather [hbm4b:s18+s4], $0x50, $0x38;
	[tilespmem:$0x16180] =	vst v63  }
0x16: {  	_ =	swait.ge [sflag:s12], $0x50  }
0x17: {  	[sflag:s12] =	ssyncset.done $0x0  }
0x18: {  	s31 =	sadd.s32 $0x0, s9;
	[sflag:s12] =	ssyncadd.s32 $0xFFFFFFB0  }
0x19: {  	[tilespmem:s13], [sflag:$0x2] =	stream.linear.gather [hbm4b:s31+s4], $0x50, $0x38;
	[tilespmem:$0x16180] =	vst v63  }
0x1a: {  	_ =	swait.ge [sflag:s12], $0x50  }
0x1b: {  	[sflag:s12] =	ssyncset.done $0x0  }
0x1c: {  	[sflag:s12] =	ssyncadd.s32 $0xFFFFFFB0  }
0x1d: {  	[tilespmem:s15], [sflag:$0x1] =	stream.indirect.gather [hbm4b:s1+s14], $0x80, s4, s14, $0xb8;
	[tilespmem:$0x16180] =	vst v63  }
0x1e: {  	_ =	swait.ge [sflag:s16], $0x2800  }
0x1f: {  	[sflag:s16] =	ssyncset.done $0x0  }
0x20: {  	[sflag:s16] =	ssyncadd.s32 $0xFFFFD800  }
0x21: {  	[spmem:s3] =	stream.indirect.scatter.add.f32 [tilespmem:s15], [sflag:$0x2], $0x80, s13, s14, $0xb8;
	[tilespmem:$0x16180] =	vst v63  }
0x22: {  	_ =	swait.ge [sflag:s12], $0x2800  }
0x23: {  	s19 =	simm.s32 $0x14;
	s18 =	simm.s32 $0xA;
	[sflag:s12] =	ssyncset.done $0x0  }
.LBB2_2:
0x24: {  	s20 =	sadd.s32 s18, s10  }
0x25: {  	[sflag:s12] =	ssyncadd.s32 $0xFFFFD800;
	s21 =	smov.u32 s19;
	s22 =	sadd.s32 $0xA, s19  }
0x26: {  	[tilespmem:s4], [sflag:$0x2] =	stream.linear.gather [hbm4b:s20+s4], $0x50, $0x38;
	[tilespmem:$0x16180] =	vst v63  }
0x27: {  	p0 =	sne.s32 s19, $0x4D8;
	_ =	swait.ge [sflag:s12], $0x50  }
0x28: {  	[sflag:s12] =	ssyncset.done $0x0  }
0x29: {  	s19 =	sadd.s32 s18, s9;
	s18 =	smov.u32 s21;
	[sflag:s12] =	ssyncadd.s32 $0xFFFFFFB0  }
0x2a: {  	[tilespmem:s13], [sflag:$0x2] =	stream.linear.gather [hbm4b:s19+s4], $0x50, $0x38;
	[tilespmem:$0x16180] =	vst v63  }
0x2b: {  	_ =	swait.ge [sflag:s12], $0x50  }
0x2c: {  	[sflag:s12] =	ssyncset.done $0x0  }
0x2d: {  	[sflag:s12] =	ssyncadd.s32 $0xFFFFFFB0  }
0x2e: {  	[tilespmem:s15], [sflag:$0x1] =	stream.indirect.gather [hbm4b:s1+s14], $0x80, s4, s14, $0xb8;
	[tilespmem:$0x16180] =	vst v63  }
0x2f: {  	_ =	swait.ge [sflag:s16], $0x2800  }
.Ltmp0:
0x30: {  	[sflag:s16] =	ssyncset.done $0x0;
	(pc) =	sbr.rel @p0 .LBB2_2-.Ltmp0, $4  }
0x31: {  	[sflag:s16] =	ssyncadd.s32 $0xFFFFD800  }
0x32: {  	[spmem:s3] =	stream.indirect.scatter.add.f32 [tilespmem:s15], [sflag:$0x2], $0x80, s13, s14, $0xb8;
	[tilespmem:$0x16180] =	vst v63  }
0x33: {  	_ =	swait.ge [sflag:s12], $0x2800  }
0x34: {  	s19 =	smov.u32 s22;
	[sflag:s12] =	ssyncset.done $0x0  }
0x35: {  	s19 =	sadd.s32 s18, s10;
	[sflag:s12] =	ssyncadd.s32 $0xFFFFD800  }
0x36: {  	[tilespmem:s4], [sflag:$0x2] =	stream.linear.gather [hbm4b:s19+s4], $0x50, $0x38;
	[tilespmem:$0x16180] =	vst v63  }
0x37: {  	_ =	swait.ge [sflag:s12], $0x50  }
0x38: {  	[sflag:s12] =	ssyncset.done $0x0  }
0x39: {  	s31 =	sadd.s32 s18, s9;
	[sflag:s12] =	ssyncadd.s32 $0xFFFFFFB0  }
0x3a: {  	[tilespmem:s13], [sflag:$0x2] =	stream.linear.gather [hbm4b:s31+s4], $0x50, $0x38;
	[tilespmem:$0x16180] =	vst v63  }
0x3b: {  	_ =	swait.ge [sflag:s12], $0x50  }
0x3c: {  	[sflag:s12] =	ssyncset.done $0x0  }
0x3d: {  	[sflag:s12] =	ssyncadd.s32 $0xFFFFFFB0  }
0x3e: {  	[tilespmem:s15], [sflag:$0x1] =	stream.indirect.gather [hbm4b:s1+s14], $0x80, s4, s14, $0xb8;
	[tilespmem:$0x16180] =	vst v63  }
0x3f: {  	_ =	swait.ge [sflag:s16], $0x2800  }
0x40: {  	[sflag:s16] =	ssyncset.done $0x0  }
0x41: {  	[sflag:s16] =	ssyncadd.s32 $0xFFFFD800  }
0x42: {  	[spmem:s3] =	stream.indirect.scatter.add.f32 [tilespmem:s15], [sflag:$0x2], $0x80, s13, s14, $0xb8;
	[tilespmem:$0x16180] =	vst v63  }
0x43: {  	_ =	swait.ge [sflag:s12], $0x2800  }
0x44: {  	s17 =	sadd.s32 $0x1, s17;
	[sflag:s12] =	ssyncset.done $0x0  }
0x45: {  	p0 =	sne.s32 s17, s8;
	[sflag:s12] =	ssyncadd.s32 $0xFFFFD800  }
.Ltmp1:
0x46: {  	[bflag:$0x0] =	sbarrier.arrive $0xFFFF;
	(pc) =	sbr.rel @p0 .LBB2_1-.Ltmp1, $4  }
0x47: {  	[hbm:s7], [sflag:s6] =	dma.local [spmem:s11], $0x2780  }
0x48: {  	_ =	swait.ge [sflag:s12], $0x2780  }
0x49: {  	[sflag:s12] =	ssyncset.done $0x0  }
0x4a: {  	[sflag:s12] =	ssyncadd.s32 $0xFFFFD880  }
0x4b: {  	_ =	sfence.sel $0x180000  }
0x4c: {  	[bflag:$0x0] =	sbarrier.arrive $0xFFFF  }
0x4d: {  	p0 =	sne.s32 s0, $0x0;
	_ =	strace $0x90000053  }
0x4e: {  	s0 =	sadd.s32 @!p0 $0x100000, s2;
	[bflag:$0x2] =	sbarrier.arrive $0xFFFF  }
0x4f: {  	[sflag:s0] =	ssyncadd.tile.s32 @!p0 $0x1;
	_ =	shalt  }
.Lfunc_end2:
_tile_overlayer_lowered:
.L_overlay_start_2:
0x50: {  	(tag) =	ssettag $0x2  }
0x51: {  	s0 =	rddreg [dreg:$0x0];
	s2 =	stileid.u32  }
0x52: {  	s1 =	rddreg [dreg:$0x1];
	p0 =	sne.s32 s2, $0x0  }
0x53: {  	s3 =	rddreg [dreg:$0x2];
	[bflag:$0x3] =	sbarrier.arrive $0xFFFF;
	s2 =	simm.s32 @!p0 $0x1C02  }
0x54: {  	[timem:s3], [sflag:s2] =	dma.local @!p0 [hbm:s0], s1  }
0x55: {  	s0 =	simm.s32 @!p0 $0x2  }
0x56: {  	_ =	swait.ge @!p0 [sflag:s0], s1  }
0x57: {  	s1 =	ssub.s32 @!p0 $0x0, s1;
	[sflag:s0] =	ssyncset.done @!p0 $0x0  }
0x58: {  	[sflag:s0] =	ssyncadd.s32 @!p0 s1  }
0x59: {  	[bflag:$0x3] =	sbarrier.arrive $0xFFFF  }
0x5a: {  	_ =	shalt  }

</sc_bundles>
